<compile_context>
chip_gen: v7x
topology: tpu7x:2x2x1
jax: 0.10.2.dev20260603
libtpu: 0.0.44.dev20260713+nightly
codegen_flags: <defaults>
</compile_context>

<pallas_src>
import jax
import jax.numpy as jnp
from jax import lax
from jax.experimental import pallas as pl
from jax.experimental.pallas import tpu as pltpu
from jax.experimental.pallas import tpu_sc as plsc

VAR_LEN = 1000000
EMBED = 64
B = 4096
S = 200

NC = 2
NS = 16
NW = NC * NS

LANES = 16
ET = EMBED // 8
BT = B // 128
UW = 8 * 128


def _tc_add_body(x_ref, p_ref, o_ref):
    o_ref[...] = x_ref[...] + p_ref[...]


def _sc_body(base_hbm, idx_hbm, table_hbm, out_hbm,
             idx_v, rows_a, unit_a, rows_b, unit_b,
             in_sem_a, in_sem_b, out_sem_a, out_sem_b):
    w = lax.axis_index("s") * NC + lax.axis_index("c")

    bufs = (
        (rows_a, unit_a, in_sem_a, out_sem_a),
        (rows_b, unit_b, in_sem_b, out_sem_b),
    )

    pltpu.sync_copy(idx_hbm.at[:, w], idx_v)

    def issue_in(s, rows, unit, sem):
        pltpu.async_copy(table_hbm.at[idx_v.at[s // 8, s % 8]], rows, sem)
        pltpu.async_copy(base_hbm.at[pl.ds(s * ET, ET), w], unit, sem)

    def wait_in(rows, unit, sem):
        pltpu.make_async_copy(table_hbm.at[idx_v.at[0, 0]], rows, sem).wait()
        pltpu.make_async_copy(base_hbm.at[pl.ds(0, ET), 0], unit, sem).wait()

    def compute(rows, unit):
        lane = lax.iota(jnp.int32, LANES)
        rvs = [lane + (LANES * k) for k in range(8)]

        def step(c0, ev):
            eh = ev >> 3
            wl0 = ((ev & 7) << 7) + lane
            gs = [plsc.load_gather(rows, [rvs[k], ev]) for k in range(8)]
            for k in range(8):
                plsc.addupdate_scatter(unit, [eh, wl0 + LANES * k], gs[k])
            return (ev + 1) & (EMBED - 1)

        lax.fori_loop(0, EMBED, step, lane)

    issue_in(0, rows_a, unit_a, in_sem_a)
    issue_in(1, rows_b, unit_b, in_sem_b)

    def iter_body(t, _):
        for half in range(2):
            rows, unit, isem, osem = bufs[half]
            s = 2 * t + half
            wait_in(rows, unit, isem)

            @pl.when(t > 0)
            def _():
                pltpu.make_async_copy(
                    unit, out_hbm.at[pl.ds(0, ET), 0], osem).wait()

            compute(rows, unit)
            pltpu.async_copy(unit, out_hbm.at[pl.ds(s * ET, ET), w], osem)

            @pl.when(s + 2 < S)
            def _():
                issue_in(s + 2, rows, unit, isem)
        return ()

    lax.fori_loop(0, S // 2, iter_body, ())

    pltpu.make_async_copy(unit_a, out_hbm.at[pl.ds(0, ET), 0], out_sem_a).wait()
    pltpu.make_async_copy(unit_b, out_hbm.at[pl.ds(0, ET), 0], out_sem_b).wait()


@jax.jit
def _run(x, variable_seq, pos_emb, table):
    def phys5(a):
        return (jnp.transpose(a, (1, 2, 0))
                .reshape(S, ET, 8, BT, 128)
                .transpose(0, 1, 3, 2, 4))

    x2 = phys5(x).reshape(S * ET * BT * 8, 128)
    p2 = phys5(pos_emb).reshape(x2.shape)

    idx4 = (jnp.transpose(variable_seq.astype(jnp.int32), (1, 0))
            .reshape(S // 8, 8, BT, 128)
            .transpose(0, 2, 1, 3))


    grid = 100
    rows_per = x2.shape[0] // grid
    base2 = pl.pallas_call(
        _tc_add_body,
        grid=(grid,),
        in_specs=[
            pl.BlockSpec((rows_per, 128), lambda i: (i, 0)),
            pl.BlockSpec((rows_per, 128), lambda i: (i, 0)),
        ],
        out_specs=pl.BlockSpec((rows_per, 128), lambda i: (i, 0)),
        out_shape=jax.ShapeDtypeStruct(x2.shape, jnp.float32),
    )(x2, p2)

    base3 = base2.reshape(S * ET, BT, UW)

    mesh = plsc.VectorSubcoreMesh(
        core_axis_name="c", subcore_axis_name="s",
        num_cores=NC, num_subcores=NS)
    out3 = pl.kernel(
        _sc_body,
        out_type=jax.ShapeDtypeStruct((S * ET, BT, UW), jnp.float32),
        mesh=mesh,
        scratch_types=[
            pltpu.VMEM((S // 8, 8, 128), jnp.int32),
            pltpu.VMEM((128, EMBED), jnp.float32),
            pltpu.VMEM((ET, UW), jnp.float32),
            pltpu.VMEM((128, EMBED), jnp.float32),
            pltpu.VMEM((ET, UW), jnp.float32),
            pltpu.SemaphoreType.DMA,
            pltpu.SemaphoreType.DMA,
            pltpu.SemaphoreType.DMA,
            pltpu.SemaphoreType.DMA,
        ],
        compiler_params=pltpu.CompilerParams(
            use_tc_tiling_on_sc=False, needs_layout_passes=False),
    )(base3, idx4, table)

    out = (out3.reshape(S, ET, BT, 8, 128)
           .transpose(0, 1, 3, 2, 4)
           .reshape(S, EMBED, B)
           .transpose(2, 0, 1))
    return out


def kernel(x, variable_seq, pos_emb, table):
    return _run(x, variable_seq, pos_emb, table)

# --- scband reference (transcript-rebuilt; emitter-appended) ---
"""Pipeline reference for scband-embedding-26070451487187 (READ-ONLY COPY).

The authoritative reference and input builder live on the scoring server;
editing this copy changes nothing except your own understanding.
"""

import jax, jax.numpy as jnp
import numpy as np

VAR_LEN = 1000000
EMBED = 64
B = 4096
S = 200

def setup_inputs(seed: int = 0) -> dict:
    key = jax.random.key(seed)
    k1, k2, k3, k4 = jax.random.split(key, 4)
    x = jax.random.normal(k1, (B, S, EMBED), dtype=jnp.float32)
    variable_seq = jax.random.randint(k2, (B, S), 0, VAR_LEN, dtype=jnp.int64)
    pos_emb = jax.random.normal(k3, (B, S, EMBED), dtype=jnp.float32)
    # learned embedding table, init std=0.02 as in the torch module
    table = jax.random.normal(k4, (VAR_LEN, EMBED), dtype=jnp.float32) * 0.02
    return {"x": x, "variable_seq": variable_seq, "pos_emb": pos_emb, "table": table}

def reference(x, variable_seq, pos_emb, table):
    # var_emb = self.variable(variable_seq)
    var_emb = jnp.take(table, variable_seq, axis=0)
    # dropout is identity in eval/inference mode
    return x + var_emb + pos_emb

if __name__ == "__main__":
    import jax
    _d = setup_inputs()
    print(jax.jit(kernel)(*tuple(_d.values())))

</pallas_src>

<mosaic_0001>
#map = affine_map<(d0, d1) -> (0, 0, 0)>
#map1 = affine_map<(d0, d1) -> (0, 0, 0, 0)>
#map2 = affine_map<(d0, d1) -> (0, 0)>
module attributes {stable_mosaic.version = 14 : i64} {
  func.func @_sc_body(%arg0: i32, %arg1: i32, %arg2: memref<1600x32x1024xf32, #tpu.memory_space<hbm>>, %arg3: memref<25x32x8x128xi32, #tpu.memory_space<hbm>>, %arg4: memref<1000000x64xf32, #tpu.memory_space<hbm>>, %arg5: memref<1600x32x1024xf32, #tpu.memory_space<hbm>>, %arg6: memref<25x8x128xi32, #tpu.memory_space<vmem>>, %arg7: memref<128x64xf32, #tpu.memory_space<vmem>>, %arg8: memref<8x1024xf32, #tpu.memory_space<vmem>>, %arg9: memref<128x64xf32, #tpu.memory_space<vmem>>, %arg10: memref<8x1024xf32, #tpu.memory_space<vmem>>, %arg11: memref<!tpu.dma_semaphore, #tpu.memory_space<semaphore_mem>>, %arg12: memref<!tpu.dma_semaphore, #tpu.memory_space<semaphore_mem>>, %arg13: memref<!tpu.dma_semaphore, #tpu.memory_space<semaphore_mem>>, %arg14: memref<!tpu.dma_semaphore, #tpu.memory_space<semaphore_mem>>) attributes {dimension_semantics = [#tpu.dimension_semantics<core_parallel>, #tpu.dimension_semantics<subcore_parallel>], iteration_bounds = array<i64: 2, 16>, scalar_prefetch = 0 : i64, scratch_operands = 9 : i64, tpu.core_type = #tpu.core_type<sc_vector_subcore>, window_params = [{transform_indices = #map}, {transform_indices = #map1}, {transform_indices = #map2}, {transform_indices = #map}]} {
    %mul3A = arith.constant 2 : i32
    %mul3A_0 = arith.muli %arg1, %mul3A : i32
    %add3A = arith.addi %mul3A_0, %arg0 : i32
    "tpu.region"() ({
      %run_scoped3A = tpu.sem_alloc : memref<!tpu.dma_semaphore, #tpu.memory_space<semaphore_mem>>
      %dma_start3A_53 = arith.constant 0 : i32
      %dma_start3A_54 = arith.constant 0 : i32
      %dma_start3A_55 = arith.constant 0 : i32
      %dma_start3A_56 = tpu.memref_slice %arg3[%dma_start3A_53, %add3A, %dma_start3A_54, %dma_start3A_55] : memref<25x32x8x128xi32, #tpu.memory_space<hbm>> -> memref<25x1x8x128xi32, #tpu.memory_space<hbm>>
      %dma_start3A_57 = tpu.memref_squeeze %dma_start3A_56 : memref<25x1x8x128xi32, #tpu.memory_space<hbm>> -> memref<25x8x128xi32, #tpu.memory_space<hbm>>
      %dma_start3A_58 = arith.constant 0 : i32
      %dma_start3A_59 = arith.constant 0 : i32
      %dma_start3A_60 = arith.constant 0 : i32
      %dma_start3A_61 = tpu.memref_slice %arg3[%dma_start3A_58, %add3A, %dma_start3A_59, %dma_start3A_60] : memref<25x32x8x128xi32, #tpu.memory_space<hbm>> -> memref<25x1x8x128xi32, #tpu.memory_space<hbm>>
      %dma_start3A_62 = tpu.memref_squeeze %dma_start3A_61 : memref<25x1x8x128xi32, #tpu.memory_space<hbm>> -> memref<25x8x128xi32, #tpu.memory_space<hbm>>
      tpu.enqueue_dma source(%dma_start3A_62 : memref<25x8x128xi32, #tpu.memory_space<hbm>>) target(%arg6 : memref<25x8x128xi32, #tpu.memory_space<vmem>>) target_semaphore(%run_scoped3A : memref<!tpu.dma_semaphore, #tpu.memory_space<semaphore_mem>>)
      %dma_wait3A_63 = arith.constant 0 : i32
      %dma_wait3A_64 = arith.constant 0 : i32
      %dma_wait3A_65 = arith.constant 0 : i32
      %dma_wait3A_66 = tpu.memref_slice %arg3[%dma_wait3A_63, %add3A, %dma_wait3A_64, %dma_wait3A_65] : memref<25x32x8x128xi32, #tpu.memory_space<hbm>> -> memref<25x1x8x128xi32, #tpu.memory_space<hbm>>
      %dma_wait3A_67 = tpu.memref_squeeze %dma_wait3A_66 : memref<25x1x8x128xi32, #tpu.memory_space<hbm>> -> memref<25x8x128xi32, #tpu.memory_space<hbm>>
      %dma_wait3A_68 = arith.constant 0 : i32
      %dma_wait3A_69 = arith.constant 0 : i32
      %dma_wait3A_70 = arith.constant 0 : i32
      %dma_wait3A_71 = tpu.memref_slice %arg3[%dma_wait3A_68, %add3A, %dma_wait3A_69, %dma_wait3A_70] : memref<25x32x8x128xi32, #tpu.memory_space<hbm>> -> memref<25x1x8x128xi32, #tpu.memory_space<hbm>>
      %dma_wait3A_72 = tpu.memref_squeeze %dma_wait3A_71 : memref<25x1x8x128xi32, #tpu.memory_space<hbm>> -> memref<25x8x128xi32, #tpu.memory_space<hbm>>
      tpu.wait_dma2 semaphore(%run_scoped3A : memref<!tpu.dma_semaphore, #tpu.memory_space<semaphore_mem>>) src(%dma_wait3A_72 : memref<25x8x128xi32, #tpu.memory_space<hbm>>) dst(%arg6 : memref<25x8x128xi32, #tpu.memory_space<vmem>>)
      tpu.yield
    }) : () -> ()
    %dma_start3A = arith.constant 0 : i32
    %dma_start3A_1 = arith.constant 0 : i32
    %dma_start3A_2 = arith.constant 0 : i32
    %dma_start3A_3 = tpu.memref_slice %arg6[%dma_start3A, %dma_start3A_1, %dma_start3A_2] : memref<25x8x128xi32, #tpu.memory_space<vmem>> -> memref<1x1x128xi32, #tpu.memory_space<vmem>>
    %dma_start3A_4 = tpu.memref_squeeze %dma_start3A_3 : memref<1x1x128xi32, #tpu.memory_space<vmem>> -> memref<128xi32, #tpu.memory_space<vmem>>
    %dma_start3A_5 = arith.constant 0 : i32
    %dma_start3A_6 = arith.constant 0 : i32
    %dma_start3A_7 = tpu.memref_slice %arg4[%dma_start3A_5, %dma_start3A_6] : memref<1000000x64xf32, #tpu.memory_space<hbm>> -> memref<1000000x64xf32, #tpu.memory_space<hbm>>
    tpu.enqueue_indirect_dma source(%dma_start3A_7 : memref<1000000x64xf32, #tpu.memory_space<hbm>>) target(%arg7 : memref<128x64xf32, #tpu.memory_space<vmem>>) offsets(%dma_start3A_4 : memref<128xi32, #tpu.memory_space<vmem>>) semaphore(%arg11 : memref<!tpu.dma_semaphore, #tpu.memory_space<semaphore_mem>>)
    %dma_start3A_8 = arith.constant 0 : i32
    %dma_start3A_9 = arith.constant 0 : i32
    %dma_start3A_10 = tpu.memref_slice %arg2[%dma_start3A_8, %add3A, %dma_start3A_9] : memref<1600x32x1024xf32, #tpu.memory_space<hbm>> -> memref<8x1x1024xf32, #tpu.memory_space<hbm>>
    %dma_start3A_11 = tpu.memref_squeeze %dma_start3A_10 : memref<8x1x1024xf32, #tpu.memory_space<hbm>> -> memref<8x1024xf32, #tpu.memory_space<hbm>>
    %dma_start3A_12 = arith.constant 0 : i32
    %dma_start3A_13 = arith.constant 0 : i32
    %dma_start3A_14 = tpu.memref_slice %arg2[%dma_start3A_12, %add3A, %dma_start3A_13] : memref<1600x32x1024xf32, #tpu.memory_space<hbm>> -> memref<8x1x1024xf32, #tpu.memory_space<hbm>>
    %dma_start3A_15 = tpu.memref_squeeze %dma_start3A_14 : memref<8x1x1024xf32, #tpu.memory_space<hbm>> -> memref<8x1024xf32, #tpu.memory_space<hbm>>
    tpu.enqueue_dma source(%dma_start3A_15 : memref<8x1024xf32, #tpu.memory_space<hbm>>) target(%arg8 : memref<8x1024xf32, #tpu.memory_space<vmem>>) target_semaphore(%arg11 : memref<!tpu.dma_semaphore, #tpu.memory_space<semaphore_mem>>)
    %dma_start3A_16 = arith.constant 0 : i32
    %dma_start3A_17 = arith.constant 1 : i32
    %dma_start3A_18 = arith.constant 0 : i32
    %dma_start3A_19 = tpu.memref_slice %arg6[%dma_start3A_16, %dma_start3A_17, %dma_start3A_18] : memref<25x8x128xi32, #tpu.memory_space<vmem>> -> memref<1x1x128xi32, #tpu.memory_space<vmem>>
    %dma_start3A_20 = tpu.memref_squeeze %dma_start3A_19 : memref<1x1x128xi32, #tpu.memory_space<vmem>> -> memref<128xi32, #tpu.memory_space<vmem>>
    %dma_start3A_21 = arith.constant 0 : i32
    %dma_start3A_22 = arith.constant 0 : i32
    %dma_start3A_23 = tpu.memref_slice %arg4[%dma_start3A_21, %dma_start3A_22] : memref<1000000x64xf32, #tpu.memory_space<hbm>> -> memref<1000000x64xf32, #tpu.memory_space<hbm>>
    tpu.enqueue_indirect_dma source(%dma_start3A_23 : memref<1000000x64xf32, #tpu.memory_space<hbm>>) target(%arg9 : memref<128x64xf32, #tpu.memory_space<vmem>>) offsets(%dma_start3A_20 : memref<128xi32, #tpu.memory_space<vmem>>) semaphore(%arg12 : memref<!tpu.dma_semaphore, #tpu.memory_space<semaphore_mem>>)
    %dma_start3A_24 = arith.constant 8 : i32
    %dma_start3A_25 = arith.constant 0 : i32
    %dma_start3A_26 = tpu.memref_slice %arg2[%dma_start3A_24, %add3A, %dma_start3A_25] : memref<1600x32x1024xf32, #tpu.memory_space<hbm>> -> memref<8x1x1024xf32, #tpu.memory_space<hbm>>
    %dma_start3A_27 = tpu.memref_squeeze %dma_start3A_26 : memref<8x1x1024xf32, #tpu.memory_space<hbm>> -> memref<8x1024xf32, #tpu.memory_space<hbm>>
    %dma_start3A_28 = arith.constant 8 : i32
    %dma_start3A_29 = arith.constant 0 : i32
    %dma_start3A_30 = tpu.memref_slice %arg2[%dma_start3A_28, %add3A, %dma_start3A_29] : memref<1600x32x1024xf32, #tpu.memory_space<hbm>> -> memref<8x1x1024xf32, #tpu.memory_space<hbm>>
    %dma_start3A_31 = tpu.memref_squeeze %dma_start3A_30 : memref<8x1x1024xf32, #tpu.memory_space<hbm>> -> memref<8x1024xf32, #tpu.memory_space<hbm>>
    tpu.enqueue_dma source(%dma_start3A_31 : memref<8x1024xf32, #tpu.memory_space<hbm>>) target(%arg10 : memref<8x1024xf32, #tpu.memory_space<vmem>>) target_semaphore(%arg12 : memref<!tpu.dma_semaphore, #tpu.memory_space<semaphore_mem>>)
    %scan3A = arith.constant 0 : i32
    %scan3A_32 = arith.constant 100 : i32
    %scan3A_33 = arith.addi %scan3A, %scan3A_32 : i32
    %scan3A_34 = arith.constant 1 : i32
    scf.for %scan3A_53 = %scan3A to %scan3A_33 step %scan3A_34  : i32 {
      %mul3A_54 = arith.constant 2 : i32
      %mul3A_55 = arith.muli %mul3A_54, %scan3A_53 : i32
      %add3A_56 = arith.constant 0 : i32
      %add3A_57 = arith.addi %mul3A_55, %add3A_56 : i32
      %dma_wait3A_58 = arith.constant 0 : i32
      %dma_wait3A_59 = arith.constant 0 : i32
      %dma_wait3A_60 = arith.constant 0 : i32
      %dma_wait3A_61 = tpu.memref_slice %arg6[%dma_wait3A_58, %dma_wait3A_59, %dma_wait3A_60] : memref<25x8x128xi32, #tpu.memory_space<vmem>> -> memref<1x1x128xi32, #tpu.memory_space<vmem>>
      %dma_wait3A_62 = tpu.memref_squeeze %dma_wait3A_61 : memref<1x1x128xi32, #tpu.memory_space<vmem>> -> memref<128xi32, #tpu.memory_space<vmem>>
      %dma_wait3A_63 = arith.constant 0 : i32
      %dma_wait3A_64 = arith.constant 0 : i32
      %dma_wait3A_65 = tpu.memref_slice %arg4[%dma_wait3A_63, %dma_wait3A_64] : memref<1000000x64xf32, #tpu.memory_space<hbm>> -> memref<1000000x64xf32, #tpu.memory_space<hbm>>
      tpu.wait_indirect_dma semaphore(%arg11 : memref<!tpu.dma_semaphore, #tpu.memory_space<semaphore_mem>>) src(%dma_wait3A_65 : memref<1000000x64xf32, #tpu.memory_space<hbm>>) dst(%arg7 : memref<128x64xf32, #tpu.memory_space<vmem>>)
      %dma_wait3A_66 = arith.constant 0 : i32
      %dma_wait3A_67 = arith.constant 0 : i32
      %dma_wait3A_68 = arith.constant 0 : i32
      %dma_wait3A_69 = tpu.memref_slice %arg2[%dma_wait3A_67, %dma_wait3A_66, %dma_wait3A_68] : memref<1600x32x1024xf32, #tpu.memory_space<hbm>> -> memref<8x1x1024xf32, #tpu.memory_space<hbm>>
      %dma_wait3A_70 = tpu.memref_squeeze %dma_wait3A_69 : memref<8x1x1024xf32, #tpu.memory_space<hbm>> -> memref<8x1024xf32, #tpu.memory_space<hbm>>
      %dma_wait3A_71 = arith.constant 0 : i32
      %dma_wait3A_72 = arith.constant 0 : i32
      %dma_wait3A_73 = tpu.memref_slice %arg2[%dma_wait3A_71, %dma_wait3A_66, %dma_wait3A_72] : memref<1600x32x1024xf32, #tpu.memory_space<hbm>> -> memref<8x1x1024xf32, #tpu.memory_space<hbm>>
      %dma_wait3A_74 = tpu.memref_squeeze %dma_wait3A_73 : memref<8x1x1024xf32, #tpu.memory_space<hbm>> -> memref<8x1024xf32, #tpu.memory_space<hbm>>
      tpu.wait_dma2 semaphore(%arg11 : memref<!tpu.dma_semaphore, #tpu.memory_space<semaphore_mem>>) src(%dma_wait3A_74 : memref<8x1024xf32, #tpu.memory_space<hbm>>) dst(%arg8 : memref<8x1024xf32, #tpu.memory_space<vmem>>)
      %gt3A = arith.constant 0 : i32
      %gt3A_75 = arith.cmpi sgt, %scan3A_53, %gt3A : i32
      %convert_element_type3A = arith.extui %gt3A_75 : i1 to i32
      %cond3A = arith.constant 0 : i32
      %cond3A_76 = arith.cmpi ne, %convert_element_type3A, %cond3A : i32
      scf.if %cond3A_76 {
        %dma_wait3A_193 = arith.constant 0 : i32
        %dma_wait3A_194 = arith.constant 0 : i32
        %dma_wait3A_195 = arith.constant 0 : i32
        %dma_wait3A_196 = tpu.memref_slice %arg5[%dma_wait3A_194, %dma_wait3A_193, %dma_wait3A_195] : memref<1600x32x1024xf32, #tpu.memory_space<hbm>> -> memref<8x1x1024xf32, #tpu.memory_space<hbm>>
        %dma_wait3A_197 = tpu.memref_squeeze %dma_wait3A_196 : memref<8x1x1024xf32, #tpu.memory_space<hbm>> -> memref<8x1024xf32, #tpu.memory_space<hbm>>
        %dma_wait3A_198 = arith.constant 0 : i32
        %dma_wait3A_199 = arith.constant 0 : i32
        %dma_wait3A_200 = tpu.memref_slice %arg5[%dma_wait3A_198, %dma_wait3A_193, %dma_wait3A_199] : memref<1600x32x1024xf32, #tpu.memory_space<hbm>> -> memref<8x1x1024xf32, #tpu.memory_space<hbm>>
        %dma_wait3A_201 = tpu.memref_squeeze %dma_wait3A_200 : memref<8x1x1024xf32, #tpu.memory_space<hbm>> -> memref<8x1024xf32, #tpu.memory_space<hbm>>
        tpu.wait_dma2 semaphore(%arg13 : memref<!tpu.dma_semaphore, #tpu.memory_space<semaphore_mem>>) src(%arg8 : memref<8x1024xf32, #tpu.memory_space<vmem>>) dst(%dma_wait3A_201 : memref<8x1024xf32, #tpu.memory_space<hbm>>)
      } else {
      }
      %iota3A = tpu.iota {dimensions = array<i32: 0>} : vector<16xi32>
      %add3A_77 = arith.constant 0 : i32
      %add3A_78 = vector.broadcast %add3A_77 : i32 to vector<16xi32>
      %add3A_79 = arith.addi %iota3A, %add3A_78 : vector<16xi32>
      %add3A_80 = arith.constant 16 : i32
      %add3A_81 = vector.broadcast %add3A_80 : i32 to vector<16xi32>
      %add3A_82 = arith.addi %iota3A, %add3A_81 : vector<16xi32>
      %add3A_83 = arith.constant 32 : i32
      %add3A_84 = vector.broadcast %add3A_83 : i32 to vector<16xi32>
      %add3A_85 = arith.addi %iota3A, %add3A_84 : vector<16xi32>
      %add3A_86 = arith.constant 48 : i32
      %add3A_87 = vector.broadcast %add3A_86 : i32 to vector<16xi32>
      %add3A_88 = arith.addi %iota3A, %add3A_87 : vector<16xi32>
      %add3A_89 = arith.constant 64 : i32
      %add3A_90 = vector.broadcast %add3A_89 : i32 to vector<16xi32>
      %add3A_91 = arith.addi %iota3A, %add3A_90 : vector<16xi32>
      %add3A_92 = arith.constant 80 : i32
      %add3A_93 = vector.broadcast %add3A_92 : i32 to vector<16xi32>
      %add3A_94 = arith.addi %iota3A, %add3A_93 : vector<16xi32>
      %add3A_95 = arith.constant 96 : i32
      %add3A_96 = vector.broadcast %add3A_95 : i32 to vector<16xi32>
      %add3A_97 = arith.addi %iota3A, %add3A_96 : vector<16xi32>
      %add3A_98 = arith.constant 112 : i32
      %add3A_99 = vector.broadcast %add3A_98 : i32 to vector<16xi32>
      %add3A_100 = arith.addi %iota3A, %add3A_99 : vector<16xi32>
      %scan3A_101 = arith.constant 0 : i32
      %scan3A_102 = arith.constant 64 : i32
      %scan3A_103 = arith.addi %scan3A_101, %scan3A_102 : i32
      %scan3A_104 = arith.constant 1 : i32
      %scan3A_105 = scf.for %scan3A_193 = %scan3A_101 to %scan3A_103 step %scan3A_104 iter_args(%scan3A_194 = %iota3A) -> (vector<16xi32>)  : i32 {
        %shift_right_arithmetic3A = arith.constant 3 : i32
        %shift_right_arithmetic3A_195 = vector.broadcast %shift_right_arithmetic3A : i32 to vector<16xi32>
        %shift_right_arithmetic3A_196 = arith.shrsi %scan3A_194, %shift_right_arithmetic3A_195 : vector<16xi32>
        %and3A = arith.constant 7 : i32
        %and3A_197 = vector.broadcast %and3A : i32 to vector<16xi32>
        %and3A_198 = arith.andi %scan3A_194, %and3A_197 : vector<16xi32>
        %shift_left3A = arith.constant 7 : i32
        %shift_left3A_199 = vector.broadcast %shift_left3A : i32 to vector<16xi32>
        %shift_left3A_200 = arith.shli %and3A_198, %shift_left3A_199 : vector<16xi32>
        %add3A_201 = arith.addi %shift_left3A_200, %iota3A : vector<16xi32>
        %gather3A = tpu.vector_load_idx %arg7[%add3A_79, %scan3A_194] : memref<128x64xf32, #tpu.memory_space<vmem>>[vector<16xi32>, vector<16xi32>], vector<16xf32>,
        %gather3A_202 = tpu.vector_load_idx %arg7[%add3A_82, %scan3A_194] : memref<128x64xf32, #tpu.memory_space<vmem>>[vector<16xi32>, vector<16xi32>], vector<16xf32>,
        %gather3A_203 = tpu.vector_load_idx %arg7[%add3A_85, %scan3A_194] : memref<128x64xf32, #tpu.memory_space<vmem>>[vector<16xi32>, vector<16xi32>], vector<16xf32>,
        %gather3A_204 = tpu.vector_load_idx %arg7[%add3A_88, %scan3A_194] : memref<128x64xf32, #tpu.memory_space<vmem>>[vector<16xi32>, vector<16xi32>], vector<16xf32>,
        %gather3A_205 = tpu.vector_load_idx %arg7[%add3A_91, %scan3A_194] : memref<128x64xf32, #tpu.memory_space<vmem>>[vector<16xi32>, vector<16xi32>], vector<16xf32>,
        %gather3A_206 = tpu.vector_load_idx %arg7[%add3A_94, %scan3A_194] : memref<128x64xf32, #tpu.memory_space<vmem>>[vector<16xi32>, vector<16xi32>], vector<16xf32>,
        %gather3A_207 = tpu.vector_load_idx %arg7[%add3A_97, %scan3A_194] : memref<128x64xf32, #tpu.memory_space<vmem>>[vector<16xi32>, vector<16xi32>], vector<16xf32>,
        %gather3A_208 = tpu.vector_load_idx %arg7[%add3A_100, %scan3A_194] : memref<128x64xf32, #tpu.memory_space<vmem>>[vector<16xi32>, vector<16xi32>], vector<16xf32>,
        %add3A_209 = arith.constant 0 : i32
        %add3A_210 = vector.broadcast %add3A_209 : i32 to vector<16xi32>
        %add3A_211 = arith.addi %add3A_201, %add3A_210 : vector<16xi32>
        tpu.vector_store_idx %arg8[%shift_right_arithmetic3A_196, %add3A_211], %gather3A {add = true} : memref<8x1024xf32, #tpu.memory_space<vmem>>[vector<16xi32>, vector<16xi32>], vector<16xf32>,
        %add3A_212 = arith.constant 16 : i32
        %add3A_213 = vector.broadcast %add3A_212 : i32 to vector<16xi32>
        %add3A_214 = arith.addi %add3A_201, %add3A_213 : vector<16xi32>
        tpu.vector_store_idx %arg8[%shift_right_arithmetic3A_196, %add3A_214], %gather3A_202 {add = true} : memref<8x1024xf32, #tpu.memory_space<vmem>>[vector<16xi32>, vector<16xi32>], vector<16xf32>,
        %add3A_215 = arith.constant 32 : i32
        %add3A_216 = vector.broadcast %add3A_215 : i32 to vector<16xi32>
        %add3A_217 = arith.addi %add3A_201, %add3A_216 : vector<16xi32>
        tpu.vector_store_idx %arg8[%shift_right_arithmetic3A_196, %add3A_217], %gather3A_203 {add = true} : memref<8x1024xf32, #tpu.memory_space<vmem>>[vector<16xi32>, vector<16xi32>], vector<16xf32>,
        %add3A_218 = arith.constant 48 : i32
        %add3A_219 = vector.broadcast %add3A_218 : i32 to vector<16xi32>
        %add3A_220 = arith.addi %add3A_201, %add3A_219 : vector<16xi32>
        tpu.vector_store_idx %arg8[%shift_right_arithmetic3A_196, %add3A_220], %gather3A_204 {add = true} : memref<8x1024xf32, #tpu.memory_space<vmem>>[vector<16xi32>, vector<16xi32>], vector<16xf32>,
        %add3A_221 = arith.constant 64 : i32
        %add3A_222 = vector.broadcast %add3A_221 : i32 to vector<16xi32>
        %add3A_223 = arith.addi %add3A_201, %add3A_222 : vector<16xi32>
        tpu.vector_store_idx %arg8[%shift_right_arithmetic3A_196, %add3A_223], %gather3A_205 {add = true} : memref<8x1024xf32, #tpu.memory_space<vmem>>[vector<16xi32>, vector<16xi32>], vector<16xf32>,
        %add3A_224 = arith.constant 80 : i32
        %add3A_225 = vector.broadcast %add3A_224 : i32 to vector<16xi32>
        %add3A_226 = arith.addi %add3A_201, %add3A_225 : vector<16xi32>
        tpu.vector_store_idx %arg8[%shift_right_arithmetic3A_196, %add3A_226], %gather3A_206 {add = true} : memref<8x1024xf32, #tpu.memory_space<vmem>>[vector<16xi32>, vector<16xi32>], vector<16xf32>,
        %add3A_227 = arith.constant 96 : i32
        %add3A_228 = vector.broadcast %add3A_227 : i32 to vector<16xi32>
        %add3A_229 = arith.addi %add3A_201, %add3A_228 : vector<16xi32>
        tpu.vector_store_idx %arg8[%shift_right_arithmetic3A_196, %add3A_229], %gather3A_207 {add = true} : memref<8x1024xf32, #tpu.memory_space<vmem>>[vector<16xi32>, vector<16xi32>], vector<16xf32>,
        %add3A_230 = arith.constant 112 : i32
        %add3A_231 = vector.broadcast %add3A_230 : i32 to vector<16xi32>
        %add3A_232 = arith.addi %add3A_201, %add3A_231 : vector<16xi32>
        tpu.vector_store_idx %arg8[%shift_right_arithmetic3A_196, %add3A_232], %gather3A_208 {add = true} : memref<8x1024xf32, #tpu.memory_space<vmem>>[vector<16xi32>, vector<16xi32>], vector<16xf32>,
        %add3A_233 = arith.constant 1 : i32
        %add3A_234 = vector.broadcast %add3A_233 : i32 to vector<16xi32>
        %add3A_235 = arith.addi %scan3A_194, %add3A_234 : vector<16xi32>
        %and3A_236 = arith.constant 63 : i32
        %and3A_237 = vector.broadcast %and3A_236 : i32 to vector<16xi32>
        %and3A_238 = arith.andi %add3A_235, %and3A_237 : vector<16xi32>
        scf.yield %and3A_238 : vector<16xi32>
      }
      %scan3A_106 = arith.constant 64 : i32
      %mul3A_107 = arith.constant 8 : i32
      %mul3A_108 = arith.muli %add3A_57, %mul3A_107 : i32
      %dma_start3A_109 = arith.constant 0 : i32
      %dma_start3A_110 = tpu.memref_slice %arg5[%mul3A_108, %add3A, %dma_start3A_109] : memref<1600x32x1024xf32, #tpu.memory_space<hbm>> -> memref<8x1x1024xf32, #tpu.memory_space<hbm>>
      %dma_start3A_111 = tpu.memref_squeeze %dma_start3A_110 : memref<8x1x1024xf32, #tpu.memory_space<hbm>> -> memref<8x1024xf32, #tpu.memory_space<hbm>>
      %dma_start3A_112 = arith.constant 0 : i32
      %dma_start3A_113 = tpu.memref_slice %arg5[%mul3A_108, %add3A, %dma_start3A_112] : memref<1600x32x1024xf32, #tpu.memory_space<hbm>> -> memref<8x1x1024xf32, #tpu.memory_space<hbm>>
      %dma_start3A_114 = tpu.memref_squeeze %dma_start3A_113 : memref<8x1x1024xf32, #tpu.memory_space<hbm>> -> memref<8x1024xf32, #tpu.memory_space<hbm>>
      tpu.enqueue_dma source(%arg8 : memref<8x1024xf32, #tpu.memory_space<vmem>>) target(%dma_start3A_114 : memref<8x1024xf32, #tpu.memory_space<hbm>>) target_semaphore(%arg13 : memref<!tpu.dma_semaphore, #tpu.memory_space<semaphore_mem>>)
      %add3A_115 = arith.constant 2 : i32
      %add3A_116 = arith.addi %add3A_57, %add3A_115 : i32
      %lt3A = arith.constant 200 : i32
      %lt3A_117 = arith.cmpi slt, %add3A_116, %lt3A : i32
      %convert_element_type3A_118 = arith.extui %lt3A_117 : i1 to i32
      %cond3A_119 = arith.constant 0 : i32
      %cond3A_120 = arith.cmpi ne, %convert_element_type3A_118, %cond3A_119 : i32
      scf.if %cond3A_120 {
        %add3A_193 = arith.constant 2 : i32
        %add3A_194 = arith.addi %add3A_57, %add3A_193 : i32
        %jit3A = arith.constant 8 : i32
        %div3A = arith.divsi %add3A_194, %jit3A : i32
        %sign3A = arith.constant 0 : i32
        %sign3A_195 = arith.cmpi sgt, %add3A_194, %sign3A : i32
        %sign3A_196 = arith.extui %sign3A_195 : i1 to i32
        %sign3A_197 = arith.constant 0 : i32
        %sign3A_198 = arith.cmpi slt, %add3A_194, %sign3A_197 : i32
        %sign3A_199 = arith.extui %sign3A_198 : i1 to i32
        %sign3A_200 = arith.subi %sign3A_196, %sign3A_199 : i32
        %sign3A_201 = arith.constant 0 : i32
        %sign3A_202 = arith.cmpi sgt, %jit3A, %sign3A_201 : i32
        %sign3A_203 = arith.extui %sign3A_202 : i1 to i32
        %sign3A_204 = arith.constant 0 : i32
        %sign3A_205 = arith.cmpi slt, %jit3A, %sign3A_204 : i32
        %sign3A_206 = arith.extui %sign3A_205 : i1 to i32
        %sign3A_207 = arith.subi %sign3A_203, %sign3A_206 : i32
        %ne3A = arith.cmpi ne, %sign3A_200, %sign3A_207 : i32
        %rem3A = arith.remsi %add3A_194, %jit3A : i32
        %ne3A_208 = arith.constant 0 : i32
        %ne3A_209 = arith.cmpi ne, %rem3A, %ne3A_208 : i32
        %and3A = arith.andi %ne3A, %ne3A_209 : i1
        %sub3A = arith.constant 1 : i32
        %sub3A_210 = arith.subi %div3A, %sub3A : i32
        %select_n3A = arith.select %and3A, %sub3A_210, %div3A : i32
        %jit3A_211 = arith.constant 8 : i32
        %eq3A = arith.constant 0 : i32
        %eq3A_212 = arith.cmpi eq, %jit3A_211, %eq3A : i32
        %jit3A_213 = arith.constant 1 : i32
        %select_n3A_214 = arith.select %eq3A_212, %jit3A_213, %jit3A_211 : i32
        %rem3A_215 = arith.remsi %add3A_194, %select_n3A_214 : i32
        %ne3A_216 = arith.constant 0 : i32
        %ne3A_217 = arith.cmpi ne, %rem3A_215, %ne3A_216 : i32
        %lt3A_218 = arith.constant 0 : i32
        %lt3A_219 = arith.cmpi slt, %rem3A_215, %lt3A_218 : i32
        %lt3A_220 = arith.constant 0 : i32
        %lt3A_221 = arith.cmpi slt, %select_n3A_214, %lt3A_220 : i32
        %ne3A_222 = arith.xori %lt3A_219, %lt3A_221 : i1
        %and3A_223 = arith.andi %ne3A_222, %ne3A_217 : i1
        %add3A_224 = arith.addi %rem3A_215, %select_n3A_214 : i32
        %select_n3A_225 = arith.select %and3A_223, %add3A_224, %rem3A_215 : i32
        %dma_start3A_226 = arith.constant 0 : i32
        %dma_start3A_227 = tpu.memref_slice %arg6[%select_n3A, %select_n3A_225, %dma_start3A_226] : memref<25x8x128xi32, #tpu.memory_space<vmem>> -> memref<1x1x128xi32, #tpu.memory_space<vmem>>
        %dma_start3A_228 = tpu.memref_squeeze %dma_start3A_227 : memref<1x1x128xi32, #tpu.memory_space<vmem>> -> memref<128xi32, #tpu.memory_space<vmem>>
        %dma_start3A_229 = arith.constant 0 : i32
        %dma_start3A_230 = arith.constant 0 : i32
        %dma_start3A_231 = tpu.memref_slice %arg4[%dma_start3A_229, %dma_start3A_230] : memref<1000000x64xf32, #tpu.memory_space<hbm>> -> memref<1000000x64xf32, #tpu.memory_space<hbm>>
        tpu.enqueue_indirect_dma source(%dma_start3A_231 : memref<1000000x64xf32, #tpu.memory_space<hbm>>) target(%arg7 : memref<128x64xf32, #tpu.memory_space<vmem>>) offsets(%dma_start3A_228 : memref<128xi32, #tpu.memory_space<vmem>>) semaphore(%arg11 : memref<!tpu.dma_semaphore, #tpu.memory_space<semaphore_mem>>)
        %mul3A_232 = arith.constant 8 : i32
        %mul3A_233 = arith.muli %add3A_194, %mul3A_232 : i32
        %dma_start3A_234 = arith.constant 0 : i32
        %dma_start3A_235 = tpu.memref_slice %arg2[%mul3A_233, %add3A, %dma_start3A_234] : memref<1600x32x1024xf32, #tpu.memory_space<hbm>> -> memref<8x1x1024xf32, #tpu.memory_space<hbm>>
        %dma_start3A_236 = tpu.memref_squeeze %dma_start3A_235 : memref<8x1x1024xf32, #tpu.memory_space<hbm>> -> memref<8x1024xf32, #tpu.memory_space<hbm>>
        %dma_start3A_237 = arith.constant 0 : i32
        %dma_start3A_238 = tpu.memref_slice %arg2[%mul3A_233, %add3A, %dma_start3A_237] : memref<1600x32x1024xf32, #tpu.memory_space<hbm>> -> memref<8x1x1024xf32, #tpu.memory_space<hbm>>
        %dma_start3A_239 = tpu.memref_squeeze %dma_start3A_238 : memref<8x1x1024xf32, #tpu.memory_space<hbm>> -> memref<8x1024xf32, #tpu.memory_space<hbm>>
        tpu.enqueue_dma source(%dma_start3A_239 : memref<8x1024xf32, #tpu.memory_space<hbm>>) target(%arg8 : memref<8x1024xf32, #tpu.memory_space<vmem>>) target_semaphore(%arg11 : memref<!tpu.dma_semaphore, #tpu.memory_space<semaphore_mem>>)
      } else {
      }
      %mul3A_121 = arith.constant 2 : i32
      %mul3A_122 = arith.muli %mul3A_121, %scan3A_53 : i32
      %add3A_123 = arith.constant 1 : i32
      %add3A_124 = arith.addi %mul3A_122, %add3A_123 : i32
      %dma_wait3A_125 = arith.constant 0 : i32
      %dma_wait3A_126 = arith.constant 0 : i32
      %dma_wait3A_127 = arith.constant 0 : i32
      %dma_wait3A_128 = tpu.memref_slice %arg6[%dma_wait3A_125, %dma_wait3A_126, %dma_wait3A_127] : memref<25x8x128xi32, #tpu.memory_space<vmem>> -> memref<1x1x128xi32, #tpu.memory_space<vmem>>
      %dma_wait3A_129 = tpu.memref_squeeze %dma_wait3A_128 : memref<1x1x128xi32, #tpu.memory_space<vmem>> -> memref<128xi32, #tpu.memory_space<vmem>>
      %dma_wait3A_130 = arith.constant 0 : i32
      %dma_wait3A_131 = arith.constant 0 : i32
      %dma_wait3A_132 = tpu.memref_slice %arg4[%dma_wait3A_130, %dma_wait3A_131] : memref<1000000x64xf32, #tpu.memory_space<hbm>> -> memref<1000000x64xf32, #tpu.memory_space<hbm>>
      tpu.wait_indirect_dma semaphore(%arg12 : memref<!tpu.dma_semaphore, #tpu.memory_space<semaphore_mem>>) src(%dma_wait3A_132 : memref<1000000x64xf32, #tpu.memory_space<hbm>>) dst(%arg9 : memref<128x64xf32, #tpu.memory_space<vmem>>)
      %dma_wait3A_133 = arith.constant 0 : i32
      %dma_wait3A_134 = arith.constant 0 : i32
      %dma_wait3A_135 = arith.constant 0 : i32
      %dma_wait3A_136 = tpu.memref_slice %arg2[%dma_wait3A_134, %dma_wait3A_133, %dma_wait3A_135] : memref<1600x32x1024xf32, #tpu.memory_space<hbm>> -> memref<8x1x1024xf32, #tpu.memory_space<hbm>>
      %dma_wait3A_137 = tpu.memref_squeeze %dma_wait3A_136 : memref<8x1x1024xf32, #tpu.memory_space<hbm>> -> memref<8x1024xf32, #tpu.memory_space<hbm>>
      %dma_wait3A_138 = arith.constant 0 : i32
      %dma_wait3A_139 = arith.constant 0 : i32
      %dma_wait3A_140 = tpu.memref_slice %arg2[%dma_wait3A_138, %dma_wait3A_133, %dma_wait3A_139] : memref<1600x32x1024xf32, #tpu.memory_space<hbm>> -> memref<8x1x1024xf32, #tpu.memory_space<hbm>>
      %dma_wait3A_141 = tpu.memref_squeeze %dma_wait3A_140 : memref<8x1x1024xf32, #tpu.memory_space<hbm>> -> memref<8x1024xf32, #tpu.memory_space<hbm>>
      tpu.wait_dma2 semaphore(%arg12 : memref<!tpu.dma_semaphore, #tpu.memory_space<semaphore_mem>>) src(%dma_wait3A_141 : memref<8x1024xf32, #tpu.memory_space<hbm>>) dst(%arg10 : memref<8x1024xf32, #tpu.memory_space<vmem>>)
      %gt3A_142 = arith.constant 0 : i32
      %gt3A_143 = arith.cmpi sgt, %scan3A_53, %gt3A_142 : i32
      %convert_element_type3A_144 = arith.extui %gt3A_143 : i1 to i32
      %cond3A_145 = arith.constant 0 : i32
      %cond3A_146 = arith.cmpi ne, %convert_element_type3A_144, %cond3A_145 : i32
      scf.if %cond3A_146 {
        %dma_wait3A_193 = arith.constant 0 : i32
        %dma_wait3A_194 = arith.constant 0 : i32
        %dma_wait3A_195 = arith.constant 0 : i32
        %dma_wait3A_196 = tpu.memref_slice %arg5[%dma_wait3A_194, %dma_wait3A_193, %dma_wait3A_195] : memref<1600x32x1024xf32, #tpu.memory_space<hbm>> -> memref<8x1x1024xf32, #tpu.memory_space<hbm>>
        %dma_wait3A_197 = tpu.memref_squeeze %dma_wait3A_196 : memref<8x1x1024xf32, #tpu.memory_space<hbm>> -> memref<8x1024xf32, #tpu.memory_space<hbm>>
        %dma_wait3A_198 = arith.constant 0 : i32
        %dma_wait3A_199 = arith.constant 0 : i32
        %dma_wait3A_200 = tpu.memref_slice %arg5[%dma_wait3A_198, %dma_wait3A_193, %dma_wait3A_199] : memref<1600x32x1024xf32, #tpu.memory_space<hbm>> -> memref<8x1x1024xf32, #tpu.memory_space<hbm>>
        %dma_wait3A_201 = tpu.memref_squeeze %dma_wait3A_200 : memref<8x1x1024xf32, #tpu.memory_space<hbm>> -> memref<8x1024xf32, #tpu.memory_space<hbm>>
        tpu.wait_dma2 semaphore(%arg14 : memref<!tpu.dma_semaphore, #tpu.memory_space<semaphore_mem>>) src(%arg10 : memref<8x1024xf32, #tpu.memory_space<vmem>>) dst(%dma_wait3A_201 : memref<8x1024xf32, #tpu.memory_space<hbm>>)
      } else {
      }
      %iota3A_147 = tpu.iota {dimensions = array<i32: 0>} : vector<16xi32>
      %add3A_148 = arith.constant 0 : i32
      %add3A_149 = vector.broadcast %add3A_148 : i32 to vector<16xi32>
      %add3A_150 = arith.addi %iota3A_147, %add3A_149 : vector<16xi32>
      %add3A_151 = arith.constant 16 : i32
      %add3A_152 = vector.broadcast %add3A_151 : i32 to vector<16xi32>
      %add3A_153 = arith.addi %iota3A_147, %add3A_152 : vector<16xi32>
      %add3A_154 = arith.constant 32 : i32
      %add3A_155 = vector.broadcast %add3A_154 : i32 to vector<16xi32>
      %add3A_156 = arith.addi %iota3A_147, %add3A_155 : vector<16xi32>
      %add3A_157 = arith.constant 48 : i32
      %add3A_158 = vector.broadcast %add3A_157 : i32 to vector<16xi32>
      %add3A_159 = arith.addi %iota3A_147, %add3A_158 : vector<16xi32>
      %add3A_160 = arith.constant 64 : i32
      %add3A_161 = vector.broadcast %add3A_160 : i32 to vector<16xi32>
      %add3A_162 = arith.addi %iota3A_147, %add3A_161 : vector<16xi32>
      %add3A_163 = arith.constant 80 : i32
      %add3A_164 = vector.broadcast %add3A_163 : i32 to vector<16xi32>
      %add3A_165 = arith.addi %iota3A_147, %add3A_164 : vector<16xi32>
      %add3A_166 = arith.constant 96 : i32
      %add3A_167 = vector.broadcast %add3A_166 : i32 to vector<16xi32>
      %add3A_168 = arith.addi %iota3A_147, %add3A_167 : vector<16xi32>
      %add3A_169 = arith.constant 112 : i32
      %add3A_170 = vector.broadcast %add3A_169 : i32 to vector<16xi32>
      %add3A_171 = arith.addi %iota3A_147, %add3A_170 : vector<16xi32>
      %scan3A_172 = arith.constant 0 : i32
      %scan3A_173 = arith.constant 64 : i32
      %scan3A_174 = arith.addi %scan3A_172, %scan3A_173 : i32
      %scan3A_175 = arith.constant 1 : i32
      %scan3A_176 = scf.for %scan3A_193 = %scan3A_172 to %scan3A_174 step %scan3A_175 iter_args(%scan3A_194 = %iota3A_147) -> (vector<16xi32>)  : i32 {
        %shift_right_arithmetic3A = arith.constant 3 : i32
        %shift_right_arithmetic3A_195 = vector.broadcast %shift_right_arithmetic3A : i32 to vector<16xi32>
        %shift_right_arithmetic3A_196 = arith.shrsi %scan3A_194, %shift_right_arithmetic3A_195 : vector<16xi32>
        %and3A = arith.constant 7 : i32
        %and3A_197 = vector.broadcast %and3A : i32 to vector<16xi32>
        %and3A_198 = arith.andi %scan3A_194, %and3A_197 : vector<16xi32>
        %shift_left3A = arith.constant 7 : i32
        %shift_left3A_199 = vector.broadcast %shift_left3A : i32 to vector<16xi32>
        %shift_left3A_200 = arith.shli %and3A_198, %shift_left3A_199 : vector<16xi32>
        %add3A_201 = arith.addi %shift_left3A_200, %iota3A_147 : vector<16xi32>
        %gather3A = tpu.vector_load_idx %arg9[%add3A_150, %scan3A_194] : memref<128x64xf32, #tpu.memory_space<vmem>>[vector<16xi32>, vector<16xi32>], vector<16xf32>,
        %gather3A_202 = tpu.vector_load_idx %arg9[%add3A_153, %scan3A_194] : memref<128x64xf32, #tpu.memory_space<vmem>>[vector<16xi32>, vector<16xi32>], vector<16xf32>,
        %gather3A_203 = tpu.vector_load_idx %arg9[%add3A_156, %scan3A_194] : memref<128x64xf32, #tpu.memory_space<vmem>>[vector<16xi32>, vector<16xi32>], vector<16xf32>,
        %gather3A_204 = tpu.vector_load_idx %arg9[%add3A_159, %scan3A_194] : memref<128x64xf32, #tpu.memory_space<vmem>>[vector<16xi32>, vector<16xi32>], vector<16xf32>,
        %gather3A_205 = tpu.vector_load_idx %arg9[%add3A_162, %scan3A_194] : memref<128x64xf32, #tpu.memory_space<vmem>>[vector<16xi32>, vector<16xi32>], vector<16xf32>,
        %gather3A_206 = tpu.vector_load_idx %arg9[%add3A_165, %scan3A_194] : memref<128x64xf32, #tpu.memory_space<vmem>>[vector<16xi32>, vector<16xi32>], vector<16xf32>,
        %gather3A_207 = tpu.vector_load_idx %arg9[%add3A_168, %scan3A_194] : memref<128x64xf32, #tpu.memory_space<vmem>>[vector<16xi32>, vector<16xi32>], vector<16xf32>,
        %gather3A_208 = tpu.vector_load_idx %arg9[%add3A_171, %scan3A_194] : memref<128x64xf32, #tpu.memory_space<vmem>>[vector<16xi32>, vector<16xi32>], vector<16xf32>,
        %add3A_209 = arith.constant 0 : i32
        %add3A_210 = vector.broadcast %add3A_209 : i32 to vector<16xi32>
        %add3A_211 = arith.addi %add3A_201, %add3A_210 : vector<16xi32>
        tpu.vector_store_idx %arg10[%shift_right_arithmetic3A_196, %add3A_211], %gather3A {add = true} : memref<8x1024xf32, #tpu.memory_space<vmem>>[vector<16xi32>, vector<16xi32>], vector<16xf32>,
        %add3A_212 = arith.constant 16 : i32
        %add3A_213 = vector.broadcast %add3A_212 : i32 to vector<16xi32>
        %add3A_214 = arith.addi %add3A_201, %add3A_213 : vector<16xi32>
        tpu.vector_store_idx %arg10[%shift_right_arithmetic3A_196, %add3A_214], %gather3A_202 {add = true} : memref<8x1024xf32, #tpu.memory_space<vmem>>[vector<16xi32>, vector<16xi32>], vector<16xf32>,
        %add3A_215 = arith.constant 32 : i32
        %add3A_216 = vector.broadcast %add3A_215 : i32 to vector<16xi32>
        %add3A_217 = arith.addi %add3A_201, %add3A_216 : vector<16xi32>
        tpu.vector_store_idx %arg10[%shift_right_arithmetic3A_196, %add3A_217], %gather3A_203 {add = true} : memref<8x1024xf32, #tpu.memory_space<vmem>>[vector<16xi32>, vector<16xi32>], vector<16xf32>,
        %add3A_218 = arith.constant 48 : i32
        %add3A_219 = vector.broadcast %add3A_218 : i32 to vector<16xi32>
        %add3A_220 = arith.addi %add3A_201, %add3A_219 : vector<16xi32>
        tpu.vector_store_idx %arg10[%shift_right_arithmetic3A_196, %add3A_220], %gather3A_204 {add = true} : memref<8x1024xf32, #tpu.memory_space<vmem>>[vector<16xi32>, vector<16xi32>], vector<16xf32>,
        %add3A_221 = arith.constant 64 : i32
        %add3A_222 = vector.broadcast %add3A_221 : i32 to vector<16xi32>
        %add3A_223 = arith.addi %add3A_201, %add3A_222 : vector<16xi32>
        tpu.vector_store_idx %arg10[%shift_right_arithmetic3A_196, %add3A_223], %gather3A_205 {add = true} : memref<8x1024xf32, #tpu.memory_space<vmem>>[vector<16xi32>, vector<16xi32>], vector<16xf32>,
        %add3A_224 = arith.constant 80 : i32
        %add3A_225 = vector.broadcast %add3A_224 : i32 to vector<16xi32>
        %add3A_226 = arith.addi %add3A_201, %add3A_225 : vector<16xi32>
        tpu.vector_store_idx %arg10[%shift_right_arithmetic3A_196, %add3A_226], %gather3A_206 {add = true} : memref<8x1024xf32, #tpu.memory_space<vmem>>[vector<16xi32>, vector<16xi32>], vector<16xf32>,
        %add3A_227 = arith.constant 96 : i32
        %add3A_228 = vector.broadcast %add3A_227 : i32 to vector<16xi32>
        %add3A_229 = arith.addi %add3A_201, %add3A_228 : vector<16xi32>
        tpu.vector_store_idx %arg10[%shift_right_arithmetic3A_196, %add3A_229], %gather3A_207 {add = true} : memref<8x1024xf32, #tpu.memory_space<vmem>>[vector<16xi32>, vector<16xi32>], vector<16xf32>,
        %add3A_230 = arith.constant 112 : i32
        %add3A_231 = vector.broadcast %add3A_230 : i32 to vector<16xi32>
        %add3A_232 = arith.addi %add3A_201, %add3A_231 : vector<16xi32>
        tpu.vector_store_idx %arg10[%shift_right_arithmetic3A_196, %add3A_232], %gather3A_208 {add = true} : memref<8x1024xf32, #tpu.memory_space<vmem>>[vector<16xi32>, vector<16xi32>], vector<16xf32>,
        %add3A_233 = arith.constant 1 : i32
        %add3A_234 = vector.broadcast %add3A_233 : i32 to vector<16xi32>
        %add3A_235 = arith.addi %scan3A_194, %add3A_234 : vector<16xi32>
        %and3A_236 = arith.constant 63 : i32
        %and3A_237 = vector.broadcast %and3A_236 : i32 to vector<16xi32>
        %and3A_238 = arith.andi %add3A_235, %and3A_237 : vector<16xi32>
        scf.yield %and3A_238 : vector<16xi32>
      }
      %scan3A_177 = arith.constant 64 : i32
      %mul3A_178 = arith.constant 8 : i32
      %mul3A_179 = arith.muli %add3A_124, %mul3A_178 : i32
      %dma_start3A_180 = arith.constant 0 : i32
      %dma_start3A_181 = tpu.memref_slice %arg5[%mul3A_179, %add3A, %dma_start3A_180] : memref<1600x32x1024xf32, #tpu.memory_space<hbm>> -> memref<8x1x1024xf32, #tpu.memory_space<hbm>>
      %dma_start3A_182 = tpu.memref_squeeze %dma_start3A_181 : memref<8x1x1024xf32, #tpu.memory_space<hbm>> -> memref<8x1024xf32, #tpu.memory_space<hbm>>
      %dma_start3A_183 = arith.constant 0 : i32
      %dma_start3A_184 = tpu.memref_slice %arg5[%mul3A_179, %add3A, %dma_start3A_183] : memref<1600x32x1024xf32, #tpu.memory_space<hbm>> -> memref<8x1x1024xf32, #tpu.memory_space<hbm>>
      %dma_start3A_185 = tpu.memref_squeeze %dma_start3A_184 : memref<8x1x1024xf32, #tpu.memory_space<hbm>> -> memref<8x1024xf32, #tpu.memory_space<hbm>>
      tpu.enqueue_dma source(%arg10 : memref<8x1024xf32, #tpu.memory_space<vmem>>) target(%dma_start3A_185 : memref<8x1024xf32, #tpu.memory_space<hbm>>) target_semaphore(%arg14 : memref<!tpu.dma_semaphore, #tpu.memory_space<semaphore_mem>>)
      %add3A_186 = arith.constant 2 : i32
      %add3A_187 = arith.addi %add3A_124, %add3A_186 : i32
      %lt3A_188 = arith.constant 200 : i32
      %lt3A_189 = arith.cmpi slt, %add3A_187, %lt3A_188 : i32
      %convert_element_type3A_190 = arith.extui %lt3A_189 : i1 to i32
      %cond3A_191 = arith.constant 0 : i32
      %cond3A_192 = arith.cmpi ne, %convert_element_type3A_190, %cond3A_191 : i32
      scf.if %cond3A_192 {
        %add3A_193 = arith.constant 2 : i32
        %add3A_194 = arith.addi %add3A_124, %add3A_193 : i32
        %jit3A = arith.constant 8 : i32
        %div3A = arith.divsi %add3A_194, %jit3A : i32
        %sign3A = arith.constant 0 : i32
        %sign3A_195 = arith.cmpi sgt, %add3A_194, %sign3A : i32
        %sign3A_196 = arith.extui %sign3A_195 : i1 to i32
        %sign3A_197 = arith.constant 0 : i32
        %sign3A_198 = arith.cmpi slt, %add3A_194, %sign3A_197 : i32
        %sign3A_199 = arith.extui %sign3A_198 : i1 to i32
        %sign3A_200 = arith.subi %sign3A_196, %sign3A_199 : i32
        %sign3A_201 = arith.constant 0 : i32
        %sign3A_202 = arith.cmpi sgt, %jit3A, %sign3A_201 : i32
        %sign3A_203 = arith.extui %sign3A_202 : i1 to i32
        %sign3A_204 = arith.constant 0 : i32
        %sign3A_205 = arith.cmpi slt, %jit3A, %sign3A_204 : i32
        %sign3A_206 = arith.extui %sign3A_205 : i1 to i32
        %sign3A_207 = arith.subi %sign3A_203, %sign3A_206 : i32
        %ne3A = arith.cmpi ne, %sign3A_200, %sign3A_207 : i32
        %rem3A = arith.remsi %add3A_194, %jit3A : i32
        %ne3A_208 = arith.constant 0 : i32
        %ne3A_209 = arith.cmpi ne, %rem3A, %ne3A_208 : i32
        %and3A = arith.andi %ne3A, %ne3A_209 : i1
        %sub3A = arith.constant 1 : i32
        %sub3A_210 = arith.subi %div3A, %sub3A : i32
        %select_n3A = arith.select %and3A, %sub3A_210, %div3A : i32
        %jit3A_211 = arith.constant 8 : i32
        %eq3A = arith.constant 0 : i32
        %eq3A_212 = arith.cmpi eq, %jit3A_211, %eq3A : i32
        %jit3A_213 = arith.constant 1 : i32
        %select_n3A_214 = arith.select %eq3A_212, %jit3A_213, %jit3A_211 : i32
        %rem3A_215 = arith.remsi %add3A_194, %select_n3A_214 : i32
        %ne3A_216 = arith.constant 0 : i32
        %ne3A_217 = arith.cmpi ne, %rem3A_215, %ne3A_216 : i32
        %lt3A_218 = arith.constant 0 : i32
        %lt3A_219 = arith.cmpi slt, %rem3A_215, %lt3A_218 : i32
        %lt3A_220 = arith.constant 0 : i32
        %lt3A_221 = arith.cmpi slt, %select_n3A_214, %lt3A_220 : i32
        %ne3A_222 = arith.xori %lt3A_219, %lt3A_221 : i1
        %and3A_223 = arith.andi %ne3A_222, %ne3A_217 : i1
        %add3A_224 = arith.addi %rem3A_215, %select_n3A_214 : i32
        %select_n3A_225 = arith.select %and3A_223, %add3A_224, %rem3A_215 : i32
        %dma_start3A_226 = arith.constant 0 : i32
        %dma_start3A_227 = tpu.memref_slice %arg6[%select_n3A, %select_n3A_225, %dma_start3A_226] : memref<25x8x128xi32, #tpu.memory_space<vmem>> -> memref<1x1x128xi32, #tpu.memory_space<vmem>>
        %dma_start3A_228 = tpu.memref_squeeze %dma_start3A_227 : memref<1x1x128xi32, #tpu.memory_space<vmem>> -> memref<128xi32, #tpu.memory_space<vmem>>
        %dma_start3A_229 = arith.constant 0 : i32
        %dma_start3A_230 = arith.constant 0 : i32
        %dma_start3A_231 = tpu.memref_slice %arg4[%dma_start3A_229, %dma_start3A_230] : memref<1000000x64xf32, #tpu.memory_space<hbm>> -> memref<1000000x64xf32, #tpu.memory_space<hbm>>
        tpu.enqueue_indirect_dma source(%dma_start3A_231 : memref<1000000x64xf32, #tpu.memory_space<hbm>>) target(%arg9 : memref<128x64xf32, #tpu.memory_space<vmem>>) offsets(%dma_start3A_228 : memref<128xi32, #tpu.memory_space<vmem>>) semaphore(%arg12 : memref<!tpu.dma_semaphore, #tpu.memory_space<semaphore_mem>>)
        %mul3A_232 = arith.constant 8 : i32
        %mul3A_233 = arith.muli %add3A_194, %mul3A_232 : i32
        %dma_start3A_234 = arith.constant 0 : i32
        %dma_start3A_235 = tpu.memref_slice %arg2[%mul3A_233, %add3A, %dma_start3A_234] : memref<1600x32x1024xf32, #tpu.memory_space<hbm>> -> memref<8x1x1024xf32, #tpu.memory_space<hbm>>
        %dma_start3A_236 = tpu.memref_squeeze %dma_start3A_235 : memref<8x1x1024xf32, #tpu.memory_space<hbm>> -> memref<8x1024xf32, #tpu.memory_space<hbm>>
        %dma_start3A_237 = arith.constant 0 : i32
        %dma_start3A_238 = tpu.memref_slice %arg2[%mul3A_233, %add3A, %dma_start3A_237] : memref<1600x32x1024xf32, #tpu.memory_space<hbm>> -> memref<8x1x1024xf32, #tpu.memory_space<hbm>>
        %dma_start3A_239 = tpu.memref_squeeze %dma_start3A_238 : memref<8x1x1024xf32, #tpu.memory_space<hbm>> -> memref<8x1024xf32, #tpu.memory_space<hbm>>
        tpu.enqueue_dma source(%dma_start3A_239 : memref<8x1024xf32, #tpu.memory_space<hbm>>) target(%arg10 : memref<8x1024xf32, #tpu.memory_space<vmem>>) target_semaphore(%arg12 : memref<!tpu.dma_semaphore, #tpu.memory_space<semaphore_mem>>)
      } else {
      }
    }
    %scan3A_35 = arith.constant 100 : i32
    %dma_wait3A = arith.constant 0 : i32
    %dma_wait3A_36 = arith.constant 0 : i32
    %dma_wait3A_37 = arith.constant 0 : i32
    %dma_wait3A_38 = tpu.memref_slice %arg5[%dma_wait3A_36, %dma_wait3A, %dma_wait3A_37] : memref<1600x32x1024xf32, #tpu.memory_space<hbm>> -> memref<8x1x1024xf32, #tpu.memory_space<hbm>>
    %dma_wait3A_39 = tpu.memref_squeeze %dma_wait3A_38 : memref<8x1x1024xf32, #tpu.memory_space<hbm>> -> memref<8x1024xf32, #tpu.memory_space<hbm>>
    %dma_wait3A_40 = arith.constant 0 : i32
    %dma_wait3A_41 = arith.constant 0 : i32
    %dma_wait3A_42 = tpu.memref_slice %arg5[%dma_wait3A_40, %dma_wait3A, %dma_wait3A_41] : memref<1600x32x1024xf32, #tpu.memory_space<hbm>> -> memref<8x1x1024xf32, #tpu.memory_space<hbm>>
    %dma_wait3A_43 = tpu.memref_squeeze %dma_wait3A_42 : memref<8x1x1024xf32, #tpu.memory_space<hbm>> -> memref<8x1024xf32, #tpu.memory_space<hbm>>
    tpu.wait_dma2 semaphore(%arg13 : memref<!tpu.dma_semaphore, #tpu.memory_space<semaphore_mem>>) src(%arg8 : memref<8x1024xf32, #tpu.memory_space<vmem>>) dst(%dma_wait3A_43 : memref<8x1024xf32, #tpu.memory_space<hbm>>)
    %dma_wait3A_44 = arith.constant 0 : i32
    %dma_wait3A_45 = arith.constant 0 : i32
    %dma_wait3A_46 = arith.constant 0 : i32
    %dma_wait3A_47 = tpu.memref_slice %arg5[%dma_wait3A_45, %dma_wait3A_44, %dma_wait3A_46] : memref<1600x32x1024xf32, #tpu.memory_space<hbm>> -> memref<8x1x1024xf32, #tpu.memory_space<hbm>>
    %dma_wait3A_48 = tpu.memref_squeeze %dma_wait3A_47 : memref<8x1x1024xf32, #tpu.memory_space<hbm>> -> memref<8x1024xf32, #tpu.memory_space<hbm>>
    %dma_wait3A_49 = arith.constant 0 : i32
    %dma_wait3A_50 = arith.constant 0 : i32
    %dma_wait3A_51 = tpu.memref_slice %arg5[%dma_wait3A_49, %dma_wait3A_44, %dma_wait3A_50] : memref<1600x32x1024xf32, #tpu.memory_space<hbm>> -> memref<8x1x1024xf32, #tpu.memory_space<hbm>>
    %dma_wait3A_52 = tpu.memref_squeeze %dma_wait3A_51 : memref<8x1x1024xf32, #tpu.memory_space<hbm>> -> memref<8x1024xf32, #tpu.memory_space<hbm>>
    tpu.wait_dma2 semaphore(%arg14 : memref<!tpu.dma_semaphore, #tpu.memory_space<semaphore_mem>>) src(%arg10 : memref<8x1024xf32, #tpu.memory_space<vmem>>) dst(%dma_wait3A_52 : memref<8x1024xf32, #tpu.memory_space<hbm>>)
    return
  }
}

module attributes {stable_mosaic.version = 14 : i64} {
  func.func @_tc_add_body(%arg0: i32, %arg1: memref<4096x128xf32, #tpu.memory_space<vmem>>, %arg2: memref<4096x128xf32, #tpu.memory_space<vmem>>, %arg3: memref<4096x128xf32, #tpu.memory_space<vmem>>) attributes {dimension_semantics = [#tpu.dimension_semantics<arbitrary>], iteration_bounds = array<i64: 100>, scalar_prefetch = 0 : i64, scratch_operands = 0 : i64, tpu.core_type = #tpu.core_type<tc>, window_params = [{transform_indices = @transform_0, window_bounds = array<i64: 4096, 128>}, {transform_indices = @transform_1, window_bounds = array<i64: 4096, 128>}, {transform_indices = @transform_2, window_bounds = array<i64: 4096, 128>}]} {
    %get3A = arith.constant 0 : index
    %get3A_0 = arith.constant 0 : index
    %get3A_1 = vector.load %arg1[%get3A, %get3A_0] : memref<4096x128xf32, #tpu.memory_space<vmem>>, vector<4096x128xf32>
    %get3A_2 = arith.constant 0 : index
    %get3A_3 = arith.constant 0 : index
    %get3A_4 = vector.load %arg2[%get3A_2, %get3A_3] : memref<4096x128xf32, #tpu.memory_space<vmem>>, vector<4096x128xf32>
    %add3A = arith.addf %get3A_1, %get3A_4 : vector<4096x128xf32>
    %swap3A = arith.constant 0 : index
    %swap3A_5 = arith.constant 0 : index
    %swap3A_6 = vector.load %arg3[%swap3A, %swap3A_5] : memref<4096x128xf32, #tpu.memory_space<vmem>>, vector<4096x128xf32>
    tpu.vector_store %arg3[%swap3A, %swap3A_5], %add3A {strides = array<i32>} : memref<4096x128xf32, #tpu.memory_space<vmem>>, vector<4096x128xf32>,
    return
  }
  func.func @transform_0(%arg0: i32) -> (i32, i32) {
    %c0_i32 = arith.constant 0 : i32
    %c0_i32_0 = arith.constant 0 : i32
    return %arg0, %c0_i32 : i32, i32
  }
  func.func @transform_1(%arg0: i32) -> (i32, i32) {
    %c0_i32 = arith.constant 0 : i32
    %c0_i32_0 = arith.constant 0 : i32
    return %arg0, %c0_i32 : i32, i32
  }
  func.func @transform_2(%arg0: i32) -> (i32, i32) {
    %c0_i32 = arith.constant 0 : i32
    %c0_i32_0 = arith.constant 0 : i32
    return %arg0, %c0_i32 : i32, i32
  }
}

</mosaic_0001>

<sc_bundles>
// kernel: _run.4.cloned.1.call-start
scs
__scs_entry_jumppad:
0x0: {  	(pc) =	sbr.rel $0x88, $3  }
0x1: {  	(tag) =	ssettag $0x0;
	lr =	simm.s32 $0x1  }
0x2: {  	[smem:$0x3F9D] =	sst lr;
	_ =	strace $0xD0000000  }
0x3: {  	_ = 	snop  }
0x4: {  	_ = 	snop  }
0x5: {  	_ = 	snop  }
0x6: {  	_ = 	snop  }
0x7: {  	_ = 	snop  }
__scs_overlays_trampoline_lowered:
0x8: {  	[smem:$0x3FAC] =	sst s0  }
0x9: {  	[smem:$0x3FAD] =	sst s1  }
0xa: {  	[smem:$0x3FAE] =	sst s2  }
0xb: {  	[smem:$0x3FAF] =	sst s3  }
0xc: {  	[smem:$0x3FB0] =	sst s4  }
0xd: {  	[smem:$0x3FB1] =	sst s5  }
0xe: {  	[smem:$0x3FB2] =	sst s6  }
0xf: {  	[smem:$0x3FB3] =	sst s7  }
0x10: {  	[smem:$0x3FB4] =	sst s8  }
0x11: {  	[smem:$0x3FB5] =	sst s9;
	s0 =	simm.s32 @!p0 $0x0  }
0x12: {  	s1 =	sld [smem:$0x3F9B];
	s0 =	simm.s32 @p0 $0x1  }
0x13: {  	[smem:$0x3FB6] =	sst s0;
	s0 =	simm.s32 @!p1 $0x0  }
0x14: {  	s2 =	sld [smem:$0x3F9A];
	s0 =	simm.s32 @p1 $0x1  }
0x15: {  	[smem:$0x3FB7] =	sst s0;
	s0 =	simm.s32 @!p2 $0x0  }
0x16: {  	s3 =	sld [smem:$0x3FDB];
	s0 =	simm.s32 @p2 $0x1  }
0x17: {  	s4 =	simm.s32 $0x1BF5;
	[smem:$0x3FB9] =	sst s0  }
0x18: {  	s0 =	sld [smem:$0x3F9C];
	_ =	swait.ge [sflag:s4], $0x0  }
0x19: {  	s7 =	sld [smem:$0x3F9D]  }
0x1a: {  	s8 =	sadd.s32 $0xFFFFE003, lr  }
0x1b: {  	s9 =	sadd.s32 $0xFFFFFEF7, lr;
	s5 =	simm.s32 $0xFFFFFFFF;
	p2 =	slt.u32 s8, $0xFFFFF086  }
0x1c: {  	p1 =	slt.u32 s9, $0xF7A;
	s5 =	simm.s32 @!p2 $0x0  }
0x1d: {  	s5 =	simm.s32 @p1 $0x1;
	p0 =	seq.s32 s7, s2  }
0x1e: {  	s7 =	smul.u32 @!p0 $0xF7A, s2;
	p2 =	seq.s32 @!p0 s5, $0x0  }
0x1f: {  	s9 =	smul.u32 $0xF7A, s1;
	s8 =	simm.s32 @!p0 $0x1BF5;
	p2 =	por !p2, p0  }
0x20: {  	[sflag:s8] =	ssyncset.s32 @!p0 $0xFFFFF086;
	s6 =	sadd.s32 @!p0 s3, s7;
	s7 =	simm.s32 @!p0 $0x108  }
0x21: {  	s3 =	sadd.s32 s3, s9;
	s6 =	sadd.s32 @!p0 $0x88, s6;
	s7 =	simm.s32 @p2 $0x1082  }
0x22: {  	[simem:s7], [sflag:s8] =	dma.local @!p0 [hbm:s6], $0xF7A  }
0x23: {  	s9 =	sor.u32 $0xD0000000, s2;
	s6 =	simm.s32 $0x108;
	_ =	swait.ge @!p0 [sflag:s8], $0x0  }
0x24: {  	s3 =	sadd.s32 $0x88, s3;
	s6 =	simm.s32 @!p1 $0x1082;
	[sflag:s4] =	ssyncset.s32 $0xFFFFF086  }
0x25: {  	[simem:s6], [sflag:s4] =	dma.local [hbm:s3], $0xF7A  }
0x26: {  	[smem:$0x3F9D] =	sst s1;
	(tag) =	ssettag s2;
	_ =	strace s9  }
0x27: {  	s1 =	sld [smem:$0x3FAD]  }
0x28: {  	s2 =	sld [smem:$0x3FAE]  }
0x29: {  	s4 =	sld [smem:$0x3FB0]  }
0x2a: {  	p0 =	seq.s32 s5, $0x0;
	s5 =	sld [smem:$0x3FB1]  }
0x2b: {  	s6 =	sld [smem:$0x3FB2]  }
0x2c: {  	s7 =	sld [smem:$0x3FB3]  }
0x2d: {  	s3 =	simm.s32 $0x108;
	s8 =	sld [smem:$0x3FB4]  }
0x2e: {  	s3 =	simm.s32 @!p0 $0x1082;
	s9 =	sld [smem:$0x3FB5]  }
0x2f: {  	lr =	sadd.s32 s0, s3;
	s0 =	sld [smem:$0x3FAC]  }
0x30: {  	s3 =	sld [smem:$0x3FAF]  }
0x31: {  	[smem:$0x3FB8] =	sst s10  }
0x32: {  	s10 =	sld [smem:$0x3FB6];
	_ =	sdelay $0x3  }
0x33: {  	p0 =	seq.s32 s10, $0x1;
	s10 =	sld [smem:$0x3FB8];
	_ =	sdelay $0x3  }
0x34: {  	[smem:$0x3FB8] =	sst s10  }
0x35: {  	s10 =	sld [smem:$0x3FB7];
	_ =	sdelay $0x3  }
0x36: {  	p1 =	seq.s32 s10, $0x1;
	s10 =	sld [smem:$0x3FB8];
	_ =	sdelay $0x3  }
0x37: {  	[smem:$0x3FB8] =	sst s10  }
0x38: {  	s10 =	sld [smem:$0x3FB9]  }
0x39: {  	_ = 	snop;
	(pc) =	sbr.ind lr, $3  }
0x3a: {  	_ = 	snop  }
0x3b: {  	_ = 	snop  }
0x3c: {  	p2 =	seq.s32 s10, $0x1;
	s10 =	sld [smem:$0x3FB8]  }
0x3d: {  	_ =	shalt  }
0x3e: {  	_ =	shalt  }
0x3f: {  	_ =	shalt  }
0x40: {  	_ =	shalt  }
0x41: {  	_ =	shalt  }
0x42: {  	_ =	shalt  }
0x43: {  	_ =	shalt  }
0x44: {  	_ =	shalt  }
0x45: {  	_ =	shalt  }
0x46: {  	_ =	shalt  }
0x47: {  	_ =	shalt  }
0x48: {  	_ =	shalt  }
0x49: {  	_ =	shalt  }
0x4a: {  	_ =	shalt  }
0x4b: {  	_ =	shalt  }
0x4c: {  	_ =	shalt  }
0x4d: {  	_ =	shalt  }
0x4e: {  	_ =	shalt  }
0x4f: {  	_ =	shalt  }
0x50: {  	_ =	shalt  }
0x51: {  	_ =	shalt  }
0x52: {  	_ =	shalt  }
0x53: {  	_ =	shalt  }
0x54: {  	_ =	shalt  }
0x55: {  	_ =	shalt  }
0x56: {  	_ =	shalt  }
0x57: {  	_ =	shalt  }
0x58: {  	_ =	shalt  }
0x59: {  	_ =	shalt  }
0x5a: {  	_ =	shalt  }
0x5b: {  	_ =	shalt  }
0x5c: {  	_ =	shalt  }
0x5d: {  	_ =	shalt  }
0x5e: {  	_ =	shalt  }
0x5f: {  	_ =	shalt  }
0x60: {  	_ =	shalt  }
0x61: {  	_ =	shalt  }
0x62: {  	_ =	shalt  }
0x63: {  	_ =	shalt  }
0x64: {  	_ =	shalt  }
0x65: {  	_ =	shalt  }
0x66: {  	_ =	shalt  }
0x67: {  	_ =	shalt  }
0x68: {  	_ =	shalt  }
0x69: {  	_ =	shalt  }
0x6a: {  	_ =	shalt  }
0x6b: {  	_ =	shalt  }
0x6c: {  	_ =	shalt  }
0x6d: {  	_ =	shalt  }
0x6e: {  	_ =	shalt  }
0x6f: {  	_ =	shalt  }
0x70: {  	_ =	shalt  }
0x71: {  	_ =	shalt  }
0x72: {  	_ =	shalt  }
0x73: {  	_ =	shalt  }
0x74: {  	_ =	shalt  }
0x75: {  	_ =	shalt  }
0x76: {  	_ =	shalt  }
0x77: {  	_ =	shalt  }
0x78: {  	_ =	shalt  }
0x79: {  	_ =	shalt  }
0x7a: {  	_ =	shalt  }
0x7b: {  	_ =	shalt  }
0x7c: {  	_ =	shalt  }
0x7d: {  	_ =	shalt  }
0x7e: {  	_ =	shalt  }
0x7f: {  	_ =	shalt  }
0x80: {  	_ =	shalt  }
0x81: {  	_ =	shalt  }
0x82: {  	_ =	shalt  }
0x83: {  	_ =	shalt  }
0x84: {  	_ =	shalt  }
0x85: {  	_ =	shalt  }
0x86: {  	_ =	shalt  }
0x87: {  	_ =	shalt  }
.Lfunc_end0:
.L_simem_size_0:
called_computation_lowered:
.L_overlay_start_0:
0x88: {  	s2 =	sld [smem:$0x3FD9]  }
0x89: {  	s3 =	sld [smem:$0x3FFE];
	_ =	sdelay $0x1  }
0x8a: {  	s1 =	srdreg.scid  }
0x8b: {  	s0 =	sand.u32 $0x1, s1  }
0x8c: {  	s17 =	sshll.u32 s0, $0xA;
	s2 =	sadd.s32 s3, s2  }
0x8d: {  	s2 =	sadd.s32 s2, s17  }
0x8e: {  	[smem:$0x3FC4] =	sst s2  }
0x8f: {  	_ = 	snop  }
0x90: {  	s2 =	sld [smem:$0x3FC8]  }
0x91: {  	s18 =	sld [smem:$0x3FD0];
	(tm) =	ssettm $0x1  }
0x92: {  	s4 =	sld [smem:$0x3FFB];
	_ =	sdelay $0x3  }
0x93: {  	_ =	strace s4  }
0x94: {  	s4 =	sld [smem:$0x3FFC];
	_ =	sdelay $0x3  }
0x95: {  	_ =	strace s4  }
0x96: {  	s4 =	sld [smem:$0x3FFD];
	_ =	sdelay $0x3  }
0x97: {  	_ =	strace s4  }
0x98: {  	_ =	strace $0x8FFFFFFF  }
0x99: {  	s19 =	sld [smem:$0x3FDB];
	_ =	sdelay $0x1  }
0x9a: {  	s5 =	simm.s32 $_scs_section_size  }
0x9b: {  	s6 =	simm.s32 $_size__tile_overlayer_lowered;
	s7 =	simm.s32 $_tile_overlayer_lowered  }
0x9c: {  	s22 =	simm.s32 $0x1BFF;
	s21 =	sshll.u32 s7, $0x1;
	s4 =	sadd.s32 s5, s19  }
0x9d: {  	s8 =	simm.s32 $0x0;
	s20 =	sshll.u32 s6, $0x1;
	s6 =	sadd.s32 s21, s4  }
0x9e: {  	[timem:s8], [sflag:s22] =	dma.local [hbm:s6], s20  }
0x9f: {  	_ =	swait.ge [sflag:s22], s20  }
0xa0: {  	s5 =	ssub.s32 $0x0, s20;
	[sflag:s22] =	ssyncset.done $0x0  }
0xa1: {  	[sflag:s22] =	ssyncadd.s32 s5;
	_ =	sdelay $0x1  }
0xa2: {  	s23 =	simm.s32 $0x1B8B  }
0xa3: {  	_ =	swait.ge [sflag:s23], $0x1  }
0xa4: {  	[sflag:s23] =	ssyncset.done $0x0  }
0xa5: {  	s25 =	simm.s32 $0x1B8E;
	s24 =	sld [smem:$0x3FFE];
	[sflag:s23] =	ssyncadd.s32 $0xFFFFFFFF  }
0xa6: {  	s26 =	simm.s32 $execute0_lowered;
	[smem:$0x3FD2] =	sst s25  }
0xa7: {  	s6 =	sshll.u32 s26, $0x1;
	_ =	strace $0x80000046;
	[dreg:$0x1] =	wrdreg $0xFFFFFFFF  }
0xa8: {  	s28 =	simm.s32 $_size_execute0_lowered;
	s4 =	sadd.s32 s4, s6;
	[dreg:$0x0] =	wrdreg $0x0  }
0xa9: {  	s6 =	sshll.u32 s28, $0x1;
	[dreg:$0x2] =	wrdreg s4  }
0xaa: {  	[dreg:$0x3] =	wrdreg s6  }
0xab: {  	[dreg:$0x4] =	wrdreg $0xC0  }
0xac: {  	_ =	task [dreg:s8], $0x5FFFF  }
0xad: {  	[dreg:$0x1] =	wrdreg $0xFFFFFFFF  }
0xae: {  	[dreg:$0x0] =	wrdreg $0x60  }
0xaf: {  	[dreg:$0x2] =	wrdreg s24  }
0xb0: {  	[dreg:$0x3] =	wrdreg s2  }
0xb1: {  	[dreg:$0x4] =	wrdreg s18  }
0xb2: {  	[dreg:$0x5] =	wrdreg $0x9  }
0xb3: {  	_ =	task.clear_ibuf [dreg:s8], $0x6FFFF;
	_ =	strace $0x90000046  }
0xb4: {  	s29 =	simm.s32 $0x9;
	_ =	strace $0x80000048  }
0xb5: {  	_ =	swait.ge [sflag:s29], $0x1  }
0xb6: {  	[sflag:s29] =	ssyncadd.s32 $0xFFFFFFFF  }
0xb7: {  	_ =	strace $0x90000048  }
0xb8: {  	_ =	sfence  }
0xb9: {  	s30 =	sld [smem:$0x0];
	_ =	sdelay $0x2  }
0xba: {  	s31 =	sshll.u32 s1, $0xD;
	s1 =	sshrl.u32 s1, $0x2  }
0xbb: {  	s3 =	sand.u32 $0x4000, s31;
	s1 =	sadd.s32 s1, s30  }
0xbc: {  	s0 =	sor.u32 s3, s0;
	s1 =	sshll.u32 s1, $0x11  }
0xbd: {  	s0 =	sor.u32 s1, s0  }
0xbe: {  	s0 =	sadd.s32 $0x8F2B, s0  }
0xbf: {  	[sflag:s0] =	ssyncadd.remote.s32 $0x1  }
0xc0: {  	_ =	sfence.sel $0xFFFF  }
0xc1: {  	[dreg:$0x0] =	wrdreg $0xFFFFFFFF;
	(pc) =	sbr.abs _section_cstart, $3  }
0xc2: {  	[dreg:$0x1] =	wrdreg $0xFFFFFFFF  }
0xc3: {  	_ =	task.clear_ibuf [dreg:s8], $0x2FFFF;
	_ =	strace $0x9FFFFFFF  }
0xc4: {  	(tm) =	ssettm $0x7FFFFFFF  }
0xc5: {  	_ =	shalt  }
tec
execute0_lowered:
.L_overlay_start_1:
0x0: {  	(tag) =	ssettag $0x1  }
0x1: {  	s6 =	rddreg [dreg:$0x0]  }
0x2: {  	s8 =	rddreg [dreg:$0x1]  }
0x3: {  	s2 =	rddreg [dreg:$0x2];
	s4 =	srdreg.scid  }
0x4: {  	s3 =	simm.s32 $0x0;
	s1 =	stileid.u32;
	s12 =	simm.s32 $0x400  }
0x5: {  	s13 =	simm.s32 $0x8000;
	s14 =	simm.s32 $0x5;
	s15 =	simm.s32 $0x80  }
0x6: {  	s16 =	simm.s32 $0x6400;
	s17 =	simm.s32 $0x8400;
	s18 =	simm.s32 $0xA400  }
0x7: {  	s19 =	simm.s32 $0xC400;
	s20 =	simm.s32 $0x1;
	s21 =	simm.s32 $0x2  }
0x8: {  	v0 =	vlaneseq.u32;
	s22 =	simm.s32 $0x3;
	s23 =	simm.s32 $0x4;
	s24 =	simm.s32 $0x0  }
0x9: {  	s7 =	sand.u32 $0x1, s4;
	[smem:$0x7FF] =	sst s3;
	s31 =	sshll.u32 s1, $0xB;
	v1 =	vmul.u32 $0x40, v0  }
.Ltmp0:
0xa: {  	v9 =	vor.u32 $0x10, v0;
	v10 =	vand.u32 $0x7, v0;
	v11 =	vor.u32 $0x20, v0;
	s5 =	sshll.u32 s7, $0xA;
	_ =	strace $0x80000047;
	(pc) =	sbr.rel .LBB2_1-.Ltmp0, $4  }
0xb: {  	v12 =	vor.u32 $0x30, v0;
	v13 =	vor.u32 $0x40, v0;
	v14 =	vor.u32 $0x50, v0;
	s9 =	ssub.s32 $0x2, s7;
	s4 =	sor.u32 s5, s31;
	s5 =	sadd.s32 $0x400, s6  }
0xc: {  	v15 =	vor.u32 $0x60, v0;
	v16 =	vor.u32 $0x70, v0;
	s6 =	sadd.s32 $0xF42800, s6;
	s11 =	sshrl.u32 s9, $0x1;
	v2 =	vor.u32 $0x400, v1;
	s10 =	sshrl.u32 s4, $0x3  }
0xd: {  	v3 =	vor.u32 $0x800, v1;
	v4 =	vor.u32 $0xC00, v1;
	v5 =	vor.u32 $0x1000, v1;
	s11 =	ssub.s32 s9, s11;
	s7 =	sadd.s32 s5, s10;
	s8 =	sadd.s32 s8, s10  }
0xe: {  	v6 =	vor.u32 $0x1400, v1;
	v7 =	vor.u32 $0x1800, v1;
	v8 =	vor.u32 $0x1C00, v1;
	s10 =	sadd.s32 $0x8000, s2;
	s11 =	smax.u32 s11, $0x1;
	s9 =	sadd.s32 $0x8000, s7  }
.LBB2_8:
0xf: {  	s24 =	sadd.s32 $0x1, s24  }
0x10: {  	_ =	swait.ge [sflag:s22], $0x2000;
	p0 =	sne.s32 s24, s11  }
.Ltmp1:
0x11: {  	[sflag:s22] =	ssyncset.done $0x0;
	(pc) =	sbr.rel @!p0 .LBB2_9-.Ltmp1, $4  }
0x12: {  	[sflag:s22] =	ssyncadd.s32 $0xFFFFE000  }
0x13: {  	_ =	swait.ge [sflag:s23], $0x2000  }
0x14: {  	[sflag:s23] =	ssyncset.done $0x0  }
0x15: {  	[sflag:s23] =	ssyncadd.s32 $0xFFFFE000  }
.LBB2_1:
0x16: {  	[tilespmem:s3], [sflag:$0x5] =	stream.strided.gather [hbm4b:s8+s12], $0x6400, s13, s12, $0x38;
	[tilespmem:$0xE400] =	vst v63  }
0x17: {  	_ =	swait.ge [sflag:s14], $0x6400  }
0x18: {  	[sflag:s14] =	ssyncset.done $0x0  }
0x19: {  	[sflag:s14] =	ssyncadd.s32 $0xFFFF9C00  }
0x1a: {  	[tilespmem:s16], [sflag:$0x1] =	stream.indirect.gather [hbm4b:s6+s15], $0x40, s3, s15, $0xb8;
	[tilespmem:$0xE400] =	vst v63  }
0x1b: {  	_ = 	snop  }
0x1c: {  	[tilespmem:s17], [sflag:$0x1] =	stream.strided.gather [hbm4b:s7+s12], $0x2000, s13, s12, $0x38;
	[tilespmem:$0xE400] =	vst v63  }
0x1d: {  	_ = 	snop  }
0x1e: {  	[tilespmem:s18], [sflag:$0x2] =	stream.indirect.gather [hbm4b:s6+s15], $0x40, s15, s15, $0xb8;
	[tilespmem:$0xE400] =	vst v63  }
0x1f: {  	s25 =	simm.s32 $0x0  }
0x20: {  	[tilespmem:s19], [sflag:$0x2] =	stream.strided.gather [hbm4b:s9+s12], $0x2000, s13, s12, $0x38;
	[tilespmem:$0xE400] =	vst v63  }
.LBB2_2:
0x21: {  	_ =	swait.ge [sflag:s20], $0x2000  }
0x22: {  	[sflag:s20] =	ssyncset.done $0x0  }
0x23: {  	[sflag:s20] =	ssyncadd.s32 $0xFFFFE000  }
0x24: {  	v18 =	vlaneseq.u32;
	_ =	swait.ge [sflag:s20], $0x2000  }
0x25: {  	p0 =	seq.s32 s25, $0x0;
	v22 =	vor.u32 v1, v18;
	v19 =	vor.u32 v4, v18;
	[sflag:s20] =	ssyncset.done $0x0  }
0x26: {  	s26 =	simm.s32 @!p0 $0x3;
	v26 =	vor.u32 v7, v18;
	v24 =	vor.u32 v2, v18;
	v17 =	vor.u32 v8, v18;
	[sflag:s20] =	ssyncadd.s32 $0xFFFFE000  }
0x27: {  	v25 =	vor.u32 v3, v18;
	v30 =	vor.u32 v6, v18;
	v20 =	vadd.s32 $0x1, v18;
	_ =	swait.ge @!p0 [sflag:s26], $0x2000  }
0x28: {  	v31 =	vshll.u32 v18, $0x7;
	v32 =	vor.u32 v5, v18;
	v18 =	vand.u32 $0x3F, v20;
	[sflag:s26] =	ssyncset.done @!p0 $0x0  }
0x29: {  	v20 =	vand.u32 $0x1C00, v31;
	v21 =	vand.u32 $0x1F80, v31;
	v23 =	vor.u32 v9, v31;
	[sflag:s26] =	ssyncadd.s32 @!p0 $0xFFFFE000  }
0x2a: {  	v28 =	vor.u32 v12, v31;
	v34 =	vor.u32 v13, v31;
	v62 =	vor.u32 v14, v31;
	v19 =	vld.idx.msk [tilespmem:v19+s16+$0x0], $0xffff  }
0x2b: {  	v63 =	vor.u32 v15, v31;
	v36 =	vor.u32 v16, v31;
	v27 =	vand.u32 $0x398, v23;
	v23 =	vld.idx.msk [tilespmem:v22+s16+$0x0], $0xffff  }
0x2c: {  	v21 =	vor.u32 v0, v21;
	v20 =	vor.u32 v10, v20;
	v33 =	vand.u32 $0x3B8, v28;
	v24 =	vld.idx.msk [tilespmem:v24+s16+$0x0], $0xffff  }
0x2d: {  	v61 =	vand.u32 $0x3C8, v34;
	v22 =	vor.u32 v27, v20;
	v27 =	vor.u32 v11, v31;
	v28 =	vld.idx.msk [tilespmem:v25+s16+$0x0], $0xffff  }
0x2e: {  	v35 =	vand.u32 $0x3D8, v62;
	v34 =	vand.u32 $0x3E8, v63;
	v25 =	vld.idx.msk [tilespmem:v30+s16+$0x0], $0xffff;
	v27 =	vand.u32 $0x3A8, v27  }
0x2f: {  	v30 =	vor.u32 v61, v20;
	v26 =	vld.idx.msk [tilespmem:v26+s16+$0x0], $0xffff;
	v31 =	vor.u32 v34, v20;
	v29 =	vor.u32 v27, v20  }
0x30: {  	s28 =	simm.s32 $0x3F;
	s26 =	sshll.u32 s25, $0x1;
	v34 =	vand.u32 $0x3F8, v36;
	v27 =	vor.u32 v33, v20;
	v33 =	vld.idx.msk [tilespmem:v32+s16+$0x0], $0xffff;
	v32 =	vor.u32 v35, v20  }
.LBB2_3:
0x31: {  	v35 =	vor.u32 v1, v18;
	v36 =	vor.u32 v7, v18;
	p1 =	sne.s32 s28, $0x1;
	s28 =	sadd.s32 $0xFFFFFFFF, s28;
	v37 =	vld.idx.msk [tilespmem:v17+s16+$0x0], $0xffff  }
0x32: {  	v38 =	vor.u32 v2, v18;
	v17 =	vor.u32 v8, v18;
	[tilespmem:v21+s17+$0x0] =	vst.idx.add.f32.msk $0xffff, v23  }
0x33: {  	v39 =	vor.u32 v3, v18;
	v21 =	vor.u32 v4, v18;
	[tilespmem:v22+s17+$0x0] =	vst.idx.add.f32.msk $0xffff, v24  }
0x34: {  	v20 =	vor.u32 v34, v20;
	[tilespmem:v29+s17+$0x0] =	vst.idx.add.f32.msk $0xffff, v28  }
0x35: {  	[tilespmem:v27+s17+$0x0] =	vst.idx.add.f32.msk $0xffff, v19  }
0x36: {  	[tilespmem:v30+s17+$0x0] =	vst.idx.add.f32.msk $0xffff, v33  }
0x37: {  	v19 =	vadd.s32 $0x1, v18;
	v30 =	vor.u32 v6, v18;
	[tilespmem:v32+s17+$0x0] =	vst.idx.add.f32.msk $0xffff, v25  }
0x38: {  	v33 =	vor.u32 v5, v18;
	v32 =	vshll.u32 v18, $0x7;
	v18 =	vand.u32 $0x3F, v19;
	[tilespmem:v31+s17+$0x0] =	vst.idx.add.f32.msk $0xffff, v26  }
0x39: {  	v22 =	vand.u32 $0x1C00, v32;
	v23 =	vand.u32 $0x1F80, v32;
	v24 =	vor.u32 v9, v32;
	[tilespmem:v20+s17+$0x0] =	vst.idx.add.f32.msk $0xffff, v37  }
0x3a: {  	v24 =	vand.u32 $0x398, v24;
	v20 =	vor.u32 v10, v22;
	v19 =	vld.idx.msk [tilespmem:v21+s16+$0x0], $0xffff;
	v21 =	vor.u32 v0, v23  }
0x3b: {  	v25 =	vor.u32 v11, v32;
	v26 =	vor.u32 v12, v32;
	v22 =	vor.u32 v24, v20;
	v23 =	vld.idx.msk [tilespmem:v35+s16+$0x0], $0xffff  }
.Ltmp2:
0x3c: {  	v31 =	vor.u32 v13, v32;
	v25 =	vand.u32 $0x3A8, v25;
	v26 =	vand.u32 $0x3B8, v26;
	v24 =	vld.idx.msk [tilespmem:v38+s16+$0x0], $0xffff;
	(pc) =	sbr.rel @p1 .LBB2_3-.Ltmp2, $4  }
0x3d: {  	v29 =	vor.u32 v25, v20;
	v27 =	vor.u32 v26, v20;
	v26 =	vand.u32 $0x3C8, v31;
	v28 =	vld.idx.msk [tilespmem:v39+s16+$0x0], $0xffff  }
0x3e: {  	v34 =	vor.u32 v15, v32;
	v31 =	vor.u32 v14, v32;
	v25 =	vld.idx.msk [tilespmem:v30+s16+$0x0], $0xffff;
	v30 =	vor.u32 v26, v20  }
0x3f: {  	v34 =	vand.u32 $0x3E8, v34;
	v31 =	vand.u32 $0x3D8, v31;
	v35 =	vor.u32 v16, v32;
	v26 =	vld.idx.msk [tilespmem:v36+s16+$0x0], $0xffff  }
0x40: {  	v32 =	vor.u32 v31, v20;
	v31 =	vor.u32 v34, v20;
	v34 =	vand.u32 $0x3F8, v35;
	v33 =	vld.idx.msk [tilespmem:v33+s16+$0x0], $0xffff  }
0x41: {  	_ =	sdelay $0x3  }
0x42: {  	v17 =	vld.idx.msk [tilespmem:v17+s16+$0x0], $0xffff  }
0x43: {  	[tilespmem:v21+s17+$0x0] =	vst.idx.add.f32.msk $0xffff, v23  }
0x44: {  	[tilespmem:v22+s17+$0x0] =	vst.idx.add.f32.msk $0xffff, v24  }
0x45: {  	v18 =	vor.u32 v34, v20;
	[tilespmem:v29+s17+$0x0] =	vst.idx.add.f32.msk $0xffff, v28  }
0x46: {  	[tilespmem:v27+s17+$0x0] =	vst.idx.add.f32.msk $0xffff, v19  }
0x47: {  	s28 =	sshll.u32 s25, $0x13;
	[tilespmem:v30+s17+$0x0] =	vst.idx.add.f32.msk $0xffff, v33  }
0x48: {  	s28 =	sor.u32 s4, s28;
	[tilespmem:v32+s17+$0x0] =	vst.idx.add.f32.msk $0xffff, v25  }
0x49: {  	s28 =	sshrl.u32 s28, $0x3;
	[tilespmem:v31+s17+$0x0] =	vst.idx.add.f32.msk $0xffff, v26  }
0x4a: {  	p1 =	seq.s32 s25, $0x63;
	s29 =	sadd.s32 s2, s28;
	[tilespmem:v18+s17+$0x0] =	vst.idx.add.f32.msk $0xffff, v17  }
0x4b: {  	[hbm4b:s29+s12] =	stream.strided.scatter [tilespmem:s17], [sflag:$0x3], $0x2000, s13, s12, $0x38;
	[tilespmem:$0xE400] =	vst v63  }
0x4c: {  	s29 =	sadd.s32 @!p1 $0x2, s26  }
0x4d: {  	s30 =	sshll.u32 @!p1 s29, $0x7  }
0x4e: {  	s31 =	simm.s32 @!p1 $0x80;
	s0 =	simm.s32 @!p1 $0x6400;
	s30 =	sand.u32 @!p1 $0xFF00, s30  }
0x4f: {  	[tilespmem:s0], [sflag:$0x1] =	stream.indirect.gather @!p1 [hbm4b:s6+s31], $0x40, s30, s31, $0xb8;
	[tilespmem:$0xE400] =	vst v63  }
0x50: {  	s0 =	sshll.u32 @!p1 s29, $0x12  }
0x51: {  	s0 =	sor.u32 @!p1 s4, s0  }
0x52: {  	s29 =	simm.s32 @!p1 $0x400;
	s0 =	sshrl.u32 @!p1 s0, $0x3  }
0x53: {  	s30 =	simm.s32 @!p1 $0x8000;
	s31 =	simm.s32 @!p1 $0x8400;
	s0 =	sadd.s32 @!p1 s5, s0  }
0x54: {  	[tilespmem:s31], [sflag:$0x1] =	stream.strided.gather @!p1 [hbm4b:s0+s29], $0x2000, s30, s29, $0x38;
	[tilespmem:$0xE400] =	vst v63  }
0x55: {  	_ =	swait.ge [sflag:s21], $0x2000  }
0x56: {  	[sflag:s21] =	ssyncset.done $0x0  }
0x57: {  	[sflag:s21] =	ssyncadd.s32 $0xFFFFE000  }
0x58: {  	v18 =	vlaneseq.u32;
	_ =	swait.ge [sflag:s21], $0x2000  }
0x59: {  	v22 =	vor.u32 v1, v18;
	v19 =	vor.u32 v4, v18;
	[sflag:s21] =	ssyncset.done $0x0  }
0x5a: {  	v27 =	vor.u32 v7, v18;
	v24 =	vor.u32 v2, v18;
	v17 =	vor.u32 v8, v18;
	s0 =	simm.s32 @!p0 $0x4;
	[sflag:s21] =	ssyncadd.s32 $0xFFFFE000  }
0x5b: {  	v25 =	vor.u32 v3, v18;
	v30 =	vor.u32 v6, v18;
	v20 =	vadd.s32 $0x1, v18;
	_ =	swait.ge @!p0 [sflag:s0], $0x2000  }
0x5c: {  	v31 =	vshll.u32 v18, $0x7;
	v58 =	vor.u32 v5, v18;
	v18 =	vand.u32 $0x3F, v20;
	[sflag:s0] =	ssyncset.done @!p0 $0x0  }
0x5d: {  	v20 =	vand.u32 $0x1C00, v31;
	v21 =	vand.u32 $0x1F80, v31;
	v23 =	vor.u32 v9, v31;
	[sflag:s0] =	ssyncadd.s32 @!p0 $0xFFFFE000  }
0x5e: {  	v28 =	vor.u32 v12, v31;
	v60 =	vor.u32 v13, v31;
	v62 =	vor.u32 v14, v31;
	v19 =	vld.idx.msk [tilespmem:v19+s18+$0x0], $0xffff  }
0x5f: {  	v63 =	vor.u32 v15, v31;
	v36 =	vor.u32 v16, v31;
	v26 =	vand.u32 $0x398, v23;
	v23 =	vld.idx.msk [tilespmem:v22+s18+$0x0], $0xffff  }
0x60: {  	v21 =	vor.u32 v0, v21;
	v20 =	vor.u32 v10, v20;
	v59 =	vand.u32 $0x3B8, v28;
	v24 =	vld.idx.msk [tilespmem:v24+s18+$0x0], $0xffff  }
0x61: {  	v61 =	vand.u32 $0x3C8, v60;
	v22 =	vor.u32 v26, v20;
	v26 =	vor.u32 v11, v31;
	v28 =	vld.idx.msk [tilespmem:v25+s18+$0x0], $0xffff  }
0x62: {  	v35 =	vand.u32 $0x3D8, v62;
	v34 =	vand.u32 $0x3E8, v63;
	v25 =	vld.idx.msk [tilespmem:v30+s18+$0x0], $0xffff;
	v26 =	vand.u32 $0x3A8, v26  }
0x63: {  	v32 =	vor.u32 v35, v20;
	v30 =	vor.u32 v61, v20;
	v27 =	vld.idx.msk [tilespmem:v27+s18+$0x0], $0xffff;
	v29 =	vor.u32 v26, v20  }
0x64: {  	s29 =	simm.s32 $0x3F;
	v33 =	vld.idx.msk [tilespmem:v58+s18+$0x0], $0xffff;
	v31 =	vor.u32 v34, v20;
	v34 =	vand.u32 $0x3F8, v36;
	v26 =	vor.u32 v59, v20  }
.LBB2_5:
0x65: {  	v35 =	vor.u32 v1, v18;
	v36 =	vor.u32 v7, v18;
	p0 =	sne.s32 s29, $0x1;
	s29 =	sadd.s32 $0xFFFFFFFF, s29;
	v37 =	vld.idx.msk [tilespmem:v17+s18+$0x0], $0xffff  }
0x66: {  	v38 =	vor.u32 v2, v18;
	v17 =	vor.u32 v8, v18;
	[tilespmem:v21+s19+$0x0] =	vst.idx.add.f32.msk $0xffff, v23  }
0x67: {  	v39 =	vor.u32 v3, v18;
	v21 =	vor.u32 v4, v18;
	[tilespmem:v22+s19+$0x0] =	vst.idx.add.f32.msk $0xffff, v24  }
0x68: {  	v20 =	vor.u32 v34, v20;
	[tilespmem:v29+s19+$0x0] =	vst.idx.add.f32.msk $0xffff, v28  }
0x69: {  	[tilespmem:v26+s19+$0x0] =	vst.idx.add.f32.msk $0xffff, v19  }
0x6a: {  	[tilespmem:v30+s19+$0x0] =	vst.idx.add.f32.msk $0xffff, v33  }
0x6b: {  	v19 =	vadd.s32 $0x1, v18;
	v30 =	vor.u32 v6, v18;
	[tilespmem:v32+s19+$0x0] =	vst.idx.add.f32.msk $0xffff, v25  }
0x6c: {  	v33 =	vor.u32 v5, v18;
	v32 =	vshll.u32 v18, $0x7;
	v18 =	vand.u32 $0x3F, v19;
	[tilespmem:v31+s19+$0x0] =	vst.idx.add.f32.msk $0xffff, v27  }
0x6d: {  	v22 =	vand.u32 $0x1C00, v32;
	v23 =	vand.u32 $0x1F80, v32;
	v24 =	vor.u32 v9, v32;
	[tilespmem:v20+s19+$0x0] =	vst.idx.add.f32.msk $0xffff, v37  }
0x6e: {  	v24 =	vand.u32 $0x398, v24;
	v20 =	vor.u32 v10, v22;
	v19 =	vld.idx.msk [tilespmem:v21+s18+$0x0], $0xffff;
	v21 =	vor.u32 v0, v23  }
0x6f: {  	v25 =	vor.u32 v11, v32;
	v26 =	vor.u32 v12, v32;
	v22 =	vor.u32 v24, v20;
	v23 =	vld.idx.msk [tilespmem:v35+s18+$0x0], $0xffff  }
.Ltmp3:
0x70: {  	v27 =	vor.u32 v13, v32;
	v25 =	vand.u32 $0x3A8, v25;
	v26 =	vand.u32 $0x3B8, v26;
	v24 =	vld.idx.msk [tilespmem:v38+s18+$0x0], $0xffff;
	(pc) =	sbr.rel @p0 .LBB2_5-.Ltmp3, $4  }
0x71: {  	v27 =	vand.u32 $0x3C8, v27;
	v29 =	vor.u32 v25, v20;
	v26 =	vor.u32 v26, v20;
	v28 =	vld.idx.msk [tilespmem:v39+s18+$0x0], $0xffff  }
0x72: {  	v31 =	vor.u32 v14, v32;
	v34 =	vor.u32 v15, v32;
	v25 =	vld.idx.msk [tilespmem:v30+s18+$0x0], $0xffff;
	v30 =	vor.u32 v27, v20  }
0x73: {  	v31 =	vand.u32 $0x3D8, v31;
	v34 =	vand.u32 $0x3E8, v34;
	v35 =	vor.u32 v16, v32;
	v27 =	vld.idx.msk [tilespmem:v36+s18+$0x0], $0xffff  }
0x74: {  	v32 =	vor.u32 v31, v20;
	v31 =	vor.u32 v34, v20;
	v34 =	vand.u32 $0x3F8, v35;
	v33 =	vld.idx.msk [tilespmem:v33+s18+$0x0], $0xffff  }
0x75: {  	_ =	sdelay $0x3  }
0x76: {  	v17 =	vld.idx.msk [tilespmem:v17+s18+$0x0], $0xffff  }
0x77: {  	[tilespmem:v21+s19+$0x0] =	vst.idx.add.f32.msk $0xffff, v23  }
0x78: {  	[tilespmem:v22+s19+$0x0] =	vst.idx.add.f32.msk $0xffff, v24  }
0x79: {  	v18 =	vor.u32 v34, v20;
	[tilespmem:v29+s19+$0x0] =	vst.idx.add.f32.msk $0xffff, v28  }
0x7a: {  	[tilespmem:v26+s19+$0x0] =	vst.idx.add.f32.msk $0xffff, v19  }
.Ltmp4:
0x7b: {  	[tilespmem:v30+s19+$0x0] =	vst.idx.add.f32.msk $0xffff, v33;
	(pc) =	sbr.rel @p1 .LBB2_8-.Ltmp4, $4  }
0x7c: {  	[tilespmem:v32+s19+$0x0] =	vst.idx.add.f32.msk $0xffff, v25  }
0x7d: {  	[tilespmem:v31+s19+$0x0] =	vst.idx.add.f32.msk $0xffff, v27  }
0x7e: {  	s0 =	sadd.s32 s28, s10;
	[tilespmem:v18+s19+$0x0] =	vst.idx.add.f32.msk $0xffff, v17  }
0x7f: {  	[hbm4b:s0+s12] =	stream.strided.scatter [tilespmem:s19], [sflag:$0x4], $0x2000, s13, s12, $0x38;
	[tilespmem:$0xE400] =	vst v63  }
0x80: {  	s0 =	sadd.s32 $0x3, s26  }
0x81: {  	s26 =	sshll.u32 s0, $0x7;
	s0 =	sshll.u32 s0, $0x12  }
.Ltmp5:
0x82: {  	s26 =	sand.u32 $0xFF80, s26;
	s0 =	sor.u32 s4, s0;
	(pc) =	sbr.rel .LBB2_2-.Ltmp5, $4  }
0x83: {  	[tilespmem:s18], [sflag:$0x2] =	stream.indirect.gather [hbm4b:s6+s15], $0x40, s26, s15, $0xb8;
	[tilespmem:$0xE400] =	vst v63  }
0x84: {  	s0 =	sshrl.u32 s0, $0x3  }
0x85: {  	s25 =	sadd.s32 $0x1, s25;
	s0 =	sadd.s32 s5, s0  }
0x86: {  	[tilespmem:s19], [sflag:$0x2] =	stream.strided.gather [hbm4b:s0+s12], $0x2000, s13, s12, $0x38;
	[tilespmem:$0xE400] =	vst v63  }
.LBB2_9:
0x87: {  	_ =	sfence.sel $0x180000  }
0x88: {  	[bflag:$0x0] =	sbarrier.arrive $0xFFFF  }
0x89: {  	_ =	strace $0x90000047  }
0x8a: {  	[bflag:$0x2] =	sbarrier.arrive $0xFFFF  }
0x8b: {  	p0 =	sne.s32 s1, $0x0;
	s0 =	rddreg [dreg:$0x3]  }
0x8c: {  	s0 =	sadd.s32 @!p0 $0x100000, s0  }
0x8d: {  	[sflag:s0] =	ssyncadd.tile.s32 @!p0 $0x1;
	_ =	shalt  }
.Lfunc_end2:
_tile_overlayer_lowered:
.L_overlay_start_2:
0x8e: {  	(tag) =	ssettag $0x2  }
0x8f: {  	s0 =	rddreg [dreg:$0x0];
	s2 =	stileid.u32  }
0x90: {  	s1 =	rddreg [dreg:$0x1];
	p0 =	sne.s32 s2, $0x0  }
0x91: {  	s3 =	rddreg [dreg:$0x2];
	[bflag:$0x3] =	sbarrier.arrive $0xFFFF;
	s2 =	simm.s32 @!p0 $0x1C05  }
0x92: {  	[timem:s3], [sflag:s2] =	dma.local @!p0 [hbm:s0], s1  }
0x93: {  	s0 =	simm.s32 @!p0 $0x5  }
0x94: {  	_ =	swait.ge @!p0 [sflag:s0], s1  }
0x95: {  	s1 =	ssub.s32 @!p0 $0x0, s1;
	[sflag:s0] =	ssyncset.done @!p0 $0x0  }
0x96: {  	[sflag:s0] =	ssyncadd.s32 @!p0 s1  }
0x97: {  	[bflag:$0x3] =	sbarrier.arrive $0xFFFF  }
0x98: {  	_ =	shalt  }

</sc_bundles>
